<compile_context>
chip_gen: v7x
topology: tpu7x:2x2x1
jax: 0.10.2.dev20260603
libtpu: 0.0.44.dev20260713+nightly
codegen_flags: <defaults>
</compile_context>

<pallas_src>
import jax
import jax.numpy as jnp
from jax import lax
from jax.experimental import pallas as pl
from jax.experimental.pallas import tpu as pltpu
from jax.experimental.pallas import tpu_sc as plsc

_NTOKEN = 100000
_EMB_DIM = 128
_B = 4096
_L = 50

_INFO = plsc.get_sparse_core_info()
_NC = _INFO.num_cores
_NS = _INFO.num_subcores
_NW = _NC * _NS

_B_PER_W = _B // _NW
_NBUF = 7
_NGROUP = (_L - 1) // _NBUF


def _emb_body(idx_hbm, table_hbm, out_hbm, idx_v, *rest):
    bufs = rest[:_NBUF]
    gsems = rest[_NBUF : 2 * _NBUF]
    osems = rest[2 * _NBUF : 3 * _NBUF]

    wid = lax.axis_index("s") * _NC + lax.axis_index("c")
    base = wid * _B_PER_W

    def _wait_gather(b):
        pltpu.make_async_copy(
            table_hbm.at[idx_v.at[0]], bufs[b], gsems[b]
        ).wait()

    def _wait_write(b):
        pltpu.make_async_copy(
            bufs[b], out_hbm.at[0, pl.ds(base, _B_PER_W)], osems[b]
        ).wait()

    def _write(b, ch):
        pltpu.async_copy(
            bufs[b], out_hbm.at[ch, pl.ds(base, _B_PER_W)], osems[b]
        )

    def _gather(b, ch):
        pltpu.async_copy(table_hbm.at[idx_v.at[ch]], bufs[b], gsems[b])

    pltpu.sync_copy(idx_hbm.at[wid], idx_v)

    for b in range(_NBUF):
        _gather(b, b)

    @pl.loop(0, _NGROUP - 1)
    def _group(g):
        for b in range(_NBUF):
            _wait_gather(b)
            _write(b, g * _NBUF + b)
        for b in range(_NBUF):
            _wait_write(b)
            _gather(b, (g + 1) * _NBUF + b)

    for b in range(_NBUF):
        _wait_gather(b)
        _write(b, (_NGROUP - 1) * _NBUF + b)
    _wait_write(0)
    _gather(0, _L - 1)
    _wait_gather(0)
    _write(0, _L - 1)
    for b in range(_NBUF):
        _wait_write(b)


@jax.jit
def _emb(idx, table):
    mesh = plsc.VectorSubcoreMesh(core_axis_name="c", subcore_axis_name="s")
    scratch = [pltpu.VMEM((_L, _B_PER_W), jnp.int32)]
    scratch += [
        pltpu.VMEM((_B_PER_W, _EMB_DIM), jnp.float32) for _ in range(_NBUF)
    ]
    scratch += [pltpu.SemaphoreType.DMA for _ in range(2 * _NBUF)]
    run = pl.kernel(
        _emb_body,
        out_type=jax.ShapeDtypeStruct((_L, _B, _EMB_DIM), jnp.float32),
        mesh=mesh,
        scratch_types=scratch,
    )
    return run(idx, table)


def kernel(x, table):
    idx = jnp.asarray(x, jnp.int32).T.reshape(_L, _NW, _B_PER_W)
    idx = idx.transpose(1, 0, 2)
    out = _emb(idx, table)
    return out.transpose(1, 0, 2)

# --- scband reference (transcript-rebuilt; emitter-appended) ---
"""Pipeline reference for scband-word-embedding-10823317586759 (READ-ONLY COPY).

The authoritative reference and input builder live on the scoring server;
editing this copy changes nothing except your own understanding.
"""

import jax, jax.numpy as jnp
import numpy as np

NTOKEN = 100000
EMB_DIM = 128
B = 4096
L = 50


def setup_inputs(seed: int = 0) -> dict:
    key = jax.random.key(seed)
    k1, k2 = jax.random.split(key)
    # indices in [0, NTOKEN], where NTOKEN is the padding index
    x = jax.random.randint(k1, (B, L), 0, NTOKEN + 1, dtype=jnp.int64)
    # embedding table of size (ntoken + 1, emb_dim); padding row zeroed
    table = jax.random.normal(k2, (NTOKEN + 1, EMB_DIM), dtype=jnp.float32)
    table = table.at[NTOKEN].set(0.0)
    return {"x": x, "table": table}


def reference(x, table):
    # nn.Embedding lookup (padding row is all-zeros in the table)
    emb = jnp.take(table, x, axis=0)
    # dropout p=0 -> identity
    return emb

if __name__ == "__main__":
    import jax
    _d = setup_inputs()
    print(jax.jit(kernel)(*tuple(_d.values())))

</pallas_src>

<mosaic_0001>
#map = affine_map<(d0, d1) -> (0, 0, 0)>
#map1 = affine_map<(d0, d1) -> (0, 0)>
module attributes {stable_mosaic.version = 14 : i64} {
  func.func @_emb_body(%arg0: i32, %arg1: i32, %arg2: memref<32x50x128xi32, #tpu.memory_space<hbm>>, %arg3: memref<100001x128xf32, #tpu.memory_space<hbm>>, %arg4: memref<50x4096x128xf32, #tpu.memory_space<hbm>>, %arg5: memref<50x128xi32, #tpu.memory_space<vmem>>, %arg6: memref<128x128xf32, #tpu.memory_space<vmem>>, %arg7: memref<128x128xf32, #tpu.memory_space<vmem>>, %arg8: memref<128x128xf32, #tpu.memory_space<vmem>>, %arg9: memref<128x128xf32, #tpu.memory_space<vmem>>, %arg10: memref<128x128xf32, #tpu.memory_space<vmem>>, %arg11: memref<128x128xf32, #tpu.memory_space<vmem>>, %arg12: memref<128x128xf32, #tpu.memory_space<vmem>>, %arg13: memref<!tpu.dma_semaphore, #tpu.memory_space<semaphore_mem>>, %arg14: memref<!tpu.dma_semaphore, #tpu.memory_space<semaphore_mem>>, %arg15: memref<!tpu.dma_semaphore, #tpu.memory_space<semaphore_mem>>, %arg16: memref<!tpu.dma_semaphore, #tpu.memory_space<semaphore_mem>>, %arg17: memref<!tpu.dma_semaphore, #tpu.memory_space<semaphore_mem>>, %arg18: memref<!tpu.dma_semaphore, #tpu.memory_space<semaphore_mem>>, %arg19: memref<!tpu.dma_semaphore, #tpu.memory_space<semaphore_mem>>, %arg20: memref<!tpu.dma_semaphore, #tpu.memory_space<semaphore_mem>>, %arg21: memref<!tpu.dma_semaphore, #tpu.memory_space<semaphore_mem>>, %arg22: memref<!tpu.dma_semaphore, #tpu.memory_space<semaphore_mem>>, %arg23: memref<!tpu.dma_semaphore, #tpu.memory_space<semaphore_mem>>, %arg24: memref<!tpu.dma_semaphore, #tpu.memory_space<semaphore_mem>>, %arg25: memref<!tpu.dma_semaphore, #tpu.memory_space<semaphore_mem>>, %arg26: memref<!tpu.dma_semaphore, #tpu.memory_space<semaphore_mem>>) attributes {dimension_semantics = [#tpu.dimension_semantics<core_parallel>, #tpu.dimension_semantics<subcore_parallel>], iteration_bounds = array<i64: 2, 16>, scalar_prefetch = 0 : i64, scratch_operands = 22 : i64, tpu.core_type = #tpu.core_type<sc_vector_subcore>, window_params = [{transform_indices = #map}, {transform_indices = #map1}, {transform_indices = #map}]} {
    %mul3A = arith.constant 2 : i32
    %mul3A_0 = arith.muli %arg1, %mul3A : i32
    %add3A = arith.addi %mul3A_0, %arg0 : i32
    %mul3A_1 = arith.constant 128 : i32
    %mul3A_2 = arith.muli %add3A, %mul3A_1 : i32
    "tpu.region"() ({
      %run_scoped3A = tpu.sem_alloc : memref<!tpu.dma_semaphore, #tpu.memory_space<semaphore_mem>>
      %dma_start3A_229 = arith.constant 0 : i32
      %dma_start3A_230 = arith.constant 0 : i32
      %dma_start3A_231 = tpu.memref_slice %arg2[%add3A, %dma_start3A_229, %dma_start3A_230] : memref<32x50x128xi32, #tpu.memory_space<hbm>> -> memref<1x50x128xi32, #tpu.memory_space<hbm>>
      %dma_start3A_232 = tpu.memref_squeeze %dma_start3A_231 : memref<1x50x128xi32, #tpu.memory_space<hbm>> -> memref<50x128xi32, #tpu.memory_space<hbm>>
      %dma_start3A_233 = arith.constant 0 : i32
      %dma_start3A_234 = arith.constant 0 : i32
      %dma_start3A_235 = tpu.memref_slice %arg2[%add3A, %dma_start3A_233, %dma_start3A_234] : memref<32x50x128xi32, #tpu.memory_space<hbm>> -> memref<1x50x128xi32, #tpu.memory_space<hbm>>
      %dma_start3A_236 = tpu.memref_squeeze %dma_start3A_235 : memref<1x50x128xi32, #tpu.memory_space<hbm>> -> memref<50x128xi32, #tpu.memory_space<hbm>>
      tpu.enqueue_dma source(%dma_start3A_236 : memref<50x128xi32, #tpu.memory_space<hbm>>) target(%arg5 : memref<50x128xi32, #tpu.memory_space<vmem>>) target_semaphore(%run_scoped3A : memref<!tpu.dma_semaphore, #tpu.memory_space<semaphore_mem>>)
      %dma_wait3A_237 = arith.constant 0 : i32
      %dma_wait3A_238 = arith.constant 0 : i32
      %dma_wait3A_239 = tpu.memref_slice %arg2[%add3A, %dma_wait3A_237, %dma_wait3A_238] : memref<32x50x128xi32, #tpu.memory_space<hbm>> -> memref<1x50x128xi32, #tpu.memory_space<hbm>>
      %dma_wait3A_240 = tpu.memref_squeeze %dma_wait3A_239 : memref<1x50x128xi32, #tpu.memory_space<hbm>> -> memref<50x128xi32, #tpu.memory_space<hbm>>
      %dma_wait3A_241 = arith.constant 0 : i32
      %dma_wait3A_242 = arith.constant 0 : i32
      %dma_wait3A_243 = tpu.memref_slice %arg2[%add3A, %dma_wait3A_241, %dma_wait3A_242] : memref<32x50x128xi32, #tpu.memory_space<hbm>> -> memref<1x50x128xi32, #tpu.memory_space<hbm>>
      %dma_wait3A_244 = tpu.memref_squeeze %dma_wait3A_243 : memref<1x50x128xi32, #tpu.memory_space<hbm>> -> memref<50x128xi32, #tpu.memory_space<hbm>>
      tpu.wait_dma2 semaphore(%run_scoped3A : memref<!tpu.dma_semaphore, #tpu.memory_space<semaphore_mem>>) src(%dma_wait3A_244 : memref<50x128xi32, #tpu.memory_space<hbm>>) dst(%arg5 : memref<50x128xi32, #tpu.memory_space<vmem>>)
      tpu.yield
    }) : () -> ()
    %dma_start3A = arith.constant 0 : i32
    %dma_start3A_3 = arith.constant 0 : i32
    %dma_start3A_4 = tpu.memref_slice %arg5[%dma_start3A, %dma_start3A_3] : memref<50x128xi32, #tpu.memory_space<vmem>> -> memref<1x128xi32, #tpu.memory_space<vmem>>
    %dma_start3A_5 = tpu.memref_squeeze %dma_start3A_4 : memref<1x128xi32, #tpu.memory_space<vmem>> -> memref<128xi32, #tpu.memory_space<vmem>>
    %dma_start3A_6 = arith.constant 0 : i32
    %dma_start3A_7 = arith.constant 0 : i32
    %dma_start3A_8 = tpu.memref_slice %arg3[%dma_start3A_6, %dma_start3A_7] : memref<100001x128xf32, #tpu.memory_space<hbm>> -> memref<100001x128xf32, #tpu.memory_space<hbm>>
    tpu.enqueue_indirect_dma source(%dma_start3A_8 : memref<100001x128xf32, #tpu.memory_space<hbm>>) target(%arg6 : memref<128x128xf32, #tpu.memory_space<vmem>>) offsets(%dma_start3A_5 : memref<128xi32, #tpu.memory_space<vmem>>) semaphore(%arg13 : memref<!tpu.dma_semaphore, #tpu.memory_space<semaphore_mem>>)
    %dma_start3A_9 = arith.constant 1 : i32
    %dma_start3A_10 = arith.constant 0 : i32
    %dma_start3A_11 = tpu.memref_slice %arg5[%dma_start3A_9, %dma_start3A_10] : memref<50x128xi32, #tpu.memory_space<vmem>> -> memref<1x128xi32, #tpu.memory_space<vmem>>
    %dma_start3A_12 = tpu.memref_squeeze %dma_start3A_11 : memref<1x128xi32, #tpu.memory_space<vmem>> -> memref<128xi32, #tpu.memory_space<vmem>>
    %dma_start3A_13 = arith.constant 0 : i32
    %dma_start3A_14 = arith.constant 0 : i32
    %dma_start3A_15 = tpu.memref_slice %arg3[%dma_start3A_13, %dma_start3A_14] : memref<100001x128xf32, #tpu.memory_space<hbm>> -> memref<100001x128xf32, #tpu.memory_space<hbm>>
    tpu.enqueue_indirect_dma source(%dma_start3A_15 : memref<100001x128xf32, #tpu.memory_space<hbm>>) target(%arg7 : memref<128x128xf32, #tpu.memory_space<vmem>>) offsets(%dma_start3A_12 : memref<128xi32, #tpu.memory_space<vmem>>) semaphore(%arg14 : memref<!tpu.dma_semaphore, #tpu.memory_space<semaphore_mem>>)
    %dma_start3A_16 = arith.constant 2 : i32
    %dma_start3A_17 = arith.constant 0 : i32
    %dma_start3A_18 = tpu.memref_slice %arg5[%dma_start3A_16, %dma_start3A_17] : memref<50x128xi32, #tpu.memory_space<vmem>> -> memref<1x128xi32, #tpu.memory_space<vmem>>
    %dma_start3A_19 = tpu.memref_squeeze %dma_start3A_18 : memref<1x128xi32, #tpu.memory_space<vmem>> -> memref<128xi32, #tpu.memory_space<vmem>>
    %dma_start3A_20 = arith.constant 0 : i32
    %dma_start3A_21 = arith.constant 0 : i32
    %dma_start3A_22 = tpu.memref_slice %arg3[%dma_start3A_20, %dma_start3A_21] : memref<100001x128xf32, #tpu.memory_space<hbm>> -> memref<100001x128xf32, #tpu.memory_space<hbm>>
    tpu.enqueue_indirect_dma source(%dma_start3A_22 : memref<100001x128xf32, #tpu.memory_space<hbm>>) target(%arg8 : memref<128x128xf32, #tpu.memory_space<vmem>>) offsets(%dma_start3A_19 : memref<128xi32, #tpu.memory_space<vmem>>) semaphore(%arg15 : memref<!tpu.dma_semaphore, #tpu.memory_space<semaphore_mem>>)
    %dma_start3A_23 = arith.constant 3 : i32
    %dma_start3A_24 = arith.constant 0 : i32
    %dma_start3A_25 = tpu.memref_slice %arg5[%dma_start3A_23, %dma_start3A_24] : memref<50x128xi32, #tpu.memory_space<vmem>> -> memref<1x128xi32, #tpu.memory_space<vmem>>
    %dma_start3A_26 = tpu.memref_squeeze %dma_start3A_25 : memref<1x128xi32, #tpu.memory_space<vmem>> -> memref<128xi32, #tpu.memory_space<vmem>>
    %dma_start3A_27 = arith.constant 0 : i32
    %dma_start3A_28 = arith.constant 0 : i32
    %dma_start3A_29 = tpu.memref_slice %arg3[%dma_start3A_27, %dma_start3A_28] : memref<100001x128xf32, #tpu.memory_space<hbm>> -> memref<100001x128xf32, #tpu.memory_space<hbm>>
    tpu.enqueue_indirect_dma source(%dma_start3A_29 : memref<100001x128xf32, #tpu.memory_space<hbm>>) target(%arg9 : memref<128x128xf32, #tpu.memory_space<vmem>>) offsets(%dma_start3A_26 : memref<128xi32, #tpu.memory_space<vmem>>) semaphore(%arg16 : memref<!tpu.dma_semaphore, #tpu.memory_space<semaphore_mem>>)
    %dma_start3A_30 = arith.constant 4 : i32
    %dma_start3A_31 = arith.constant 0 : i32
    %dma_start3A_32 = tpu.memref_slice %arg5[%dma_start3A_30, %dma_start3A_31] : memref<50x128xi32, #tpu.memory_space<vmem>> -> memref<1x128xi32, #tpu.memory_space<vmem>>
    %dma_start3A_33 = tpu.memref_squeeze %dma_start3A_32 : memref<1x128xi32, #tpu.memory_space<vmem>> -> memref<128xi32, #tpu.memory_space<vmem>>
    %dma_start3A_34 = arith.constant 0 : i32
    %dma_start3A_35 = arith.constant 0 : i32
    %dma_start3A_36 = tpu.memref_slice %arg3[%dma_start3A_34, %dma_start3A_35] : memref<100001x128xf32, #tpu.memory_space<hbm>> -> memref<100001x128xf32, #tpu.memory_space<hbm>>
    tpu.enqueue_indirect_dma source(%dma_start3A_36 : memref<100001x128xf32, #tpu.memory_space<hbm>>) target(%arg10 : memref<128x128xf32, #tpu.memory_space<vmem>>) offsets(%dma_start3A_33 : memref<128xi32, #tpu.memory_space<vmem>>) semaphore(%arg17 : memref<!tpu.dma_semaphore, #tpu.memory_space<semaphore_mem>>)
    %dma_start3A_37 = arith.constant 5 : i32
    %dma_start3A_38 = arith.constant 0 : i32
    %dma_start3A_39 = tpu.memref_slice %arg5[%dma_start3A_37, %dma_start3A_38] : memref<50x128xi32, #tpu.memory_space<vmem>> -> memref<1x128xi32, #tpu.memory_space<vmem>>
    %dma_start3A_40 = tpu.memref_squeeze %dma_start3A_39 : memref<1x128xi32, #tpu.memory_space<vmem>> -> memref<128xi32, #tpu.memory_space<vmem>>
    %dma_start3A_41 = arith.constant 0 : i32
    %dma_start3A_42 = arith.constant 0 : i32
    %dma_start3A_43 = tpu.memref_slice %arg3[%dma_start3A_41, %dma_start3A_42] : memref<100001x128xf32, #tpu.memory_space<hbm>> -> memref<100001x128xf32, #tpu.memory_space<hbm>>
    tpu.enqueue_indirect_dma source(%dma_start3A_43 : memref<100001x128xf32, #tpu.memory_space<hbm>>) target(%arg11 : memref<128x128xf32, #tpu.memory_space<vmem>>) offsets(%dma_start3A_40 : memref<128xi32, #tpu.memory_space<vmem>>) semaphore(%arg18 : memref<!tpu.dma_semaphore, #tpu.memory_space<semaphore_mem>>)
    %dma_start3A_44 = arith.constant 6 : i32
    %dma_start3A_45 = arith.constant 0 : i32
    %dma_start3A_46 = tpu.memref_slice %arg5[%dma_start3A_44, %dma_start3A_45] : memref<50x128xi32, #tpu.memory_space<vmem>> -> memref<1x128xi32, #tpu.memory_space<vmem>>
    %dma_start3A_47 = tpu.memref_squeeze %dma_start3A_46 : memref<1x128xi32, #tpu.memory_space<vmem>> -> memref<128xi32, #tpu.memory_space<vmem>>
    %dma_start3A_48 = arith.constant 0 : i32
    %dma_start3A_49 = arith.constant 0 : i32
    %dma_start3A_50 = tpu.memref_slice %arg3[%dma_start3A_48, %dma_start3A_49] : memref<100001x128xf32, #tpu.memory_space<hbm>> -> memref<100001x128xf32, #tpu.memory_space<hbm>>
    tpu.enqueue_indirect_dma source(%dma_start3A_50 : memref<100001x128xf32, #tpu.memory_space<hbm>>) target(%arg12 : memref<128x128xf32, #tpu.memory_space<vmem>>) offsets(%dma_start3A_47 : memref<128xi32, #tpu.memory_space<vmem>>) semaphore(%arg19 : memref<!tpu.dma_semaphore, #tpu.memory_space<semaphore_mem>>)
    %scan3A = arith.constant 0 : i32
    %scan3A_51 = arith.constant 6 : i32
    %scan3A_52 = arith.addi %scan3A, %scan3A_51 : i32
    %scan3A_53 = arith.constant 1 : i32
    scf.for %scan3A_229 = %scan3A to %scan3A_52 step %scan3A_53  : i32 {
      %mul3A_230 = arith.constant 1 : i32
      %mul3A_231 = arith.muli %scan3A_229, %mul3A_230 : i32
      %add3A_232 = arith.constant 0 : i32
      %add3A_233 = arith.addi %add3A_232, %mul3A_231 : i32
      %dma_wait3A_234 = arith.constant 0 : i32
      %dma_wait3A_235 = arith.constant 0 : i32
      %dma_wait3A_236 = tpu.memref_slice %arg5[%dma_wait3A_234, %dma_wait3A_235] : memref<50x128xi32, #tpu.memory_space<vmem>> -> memref<1x128xi32, #tpu.memory_space<vmem>>
      %dma_wait3A_237 = tpu.memref_squeeze %dma_wait3A_236 : memref<1x128xi32, #tpu.memory_space<vmem>> -> memref<128xi32, #tpu.memory_space<vmem>>
      %dma_wait3A_238 = arith.constant 0 : i32
      %dma_wait3A_239 = arith.constant 0 : i32
      %dma_wait3A_240 = tpu.memref_slice %arg3[%dma_wait3A_238, %dma_wait3A_239] : memref<100001x128xf32, #tpu.memory_space<hbm>> -> memref<100001x128xf32, #tpu.memory_space<hbm>>
      tpu.wait_indirect_dma semaphore(%arg13 : memref<!tpu.dma_semaphore, #tpu.memory_space<semaphore_mem>>) src(%dma_wait3A_240 : memref<100001x128xf32, #tpu.memory_space<hbm>>) dst(%arg6 : memref<128x128xf32, #tpu.memory_space<vmem>>)
      %mul3A_241 = arith.constant 7 : i32
      %mul3A_242 = arith.muli %add3A_233, %mul3A_241 : i32
      %add3A_243 = arith.constant 0 : i32
      %add3A_244 = arith.addi %mul3A_242, %add3A_243 : i32
      %dma_start3A_245 = arith.constant 0 : i32
      %dma_start3A_246 = tpu.memref_slice %arg4[%add3A_244, %mul3A_2, %dma_start3A_245] : memref<50x4096x128xf32, #tpu.memory_space<hbm>> -> memref<1x128x128xf32, #tpu.memory_space<hbm>>
      %dma_start3A_247 = tpu.memref_squeeze %dma_start3A_246 : memref<1x128x128xf32, #tpu.memory_space<hbm>> -> memref<128x128xf32, #tpu.memory_space<hbm>>
      %dma_start3A_248 = arith.constant 0 : i32
      %dma_start3A_249 = tpu.memref_slice %arg4[%add3A_244, %mul3A_2, %dma_start3A_248] : memref<50x4096x128xf32, #tpu.memory_space<hbm>> -> memref<1x128x128xf32, #tpu.memory_space<hbm>>
      %dma_start3A_250 = tpu.memref_squeeze %dma_start3A_249 : memref<1x128x128xf32, #tpu.memory_space<hbm>> -> memref<128x128xf32, #tpu.memory_space<hbm>>
      tpu.enqueue_dma source(%arg6 : memref<128x128xf32, #tpu.memory_space<vmem>>) target(%dma_start3A_250 : memref<128x128xf32, #tpu.memory_space<hbm>>) target_semaphore(%arg20 : memref<!tpu.dma_semaphore, #tpu.memory_space<semaphore_mem>>)
      %dma_wait3A_251 = arith.constant 0 : i32
      %dma_wait3A_252 = arith.constant 0 : i32
      %dma_wait3A_253 = tpu.memref_slice %arg5[%dma_wait3A_251, %dma_wait3A_252] : memref<50x128xi32, #tpu.memory_space<vmem>> -> memref<1x128xi32, #tpu.memory_space<vmem>>
      %dma_wait3A_254 = tpu.memref_squeeze %dma_wait3A_253 : memref<1x128xi32, #tpu.memory_space<vmem>> -> memref<128xi32, #tpu.memory_space<vmem>>
      %dma_wait3A_255 = arith.constant 0 : i32
      %dma_wait3A_256 = arith.constant 0 : i32
      %dma_wait3A_257 = tpu.memref_slice %arg3[%dma_wait3A_255, %dma_wait3A_256] : memref<100001x128xf32, #tpu.memory_space<hbm>> -> memref<100001x128xf32, #tpu.memory_space<hbm>>
      tpu.wait_indirect_dma semaphore(%arg14 : memref<!tpu.dma_semaphore, #tpu.memory_space<semaphore_mem>>) src(%dma_wait3A_257 : memref<100001x128xf32, #tpu.memory_space<hbm>>) dst(%arg7 : memref<128x128xf32, #tpu.memory_space<vmem>>)
      %mul3A_258 = arith.constant 7 : i32
      %mul3A_259 = arith.muli %add3A_233, %mul3A_258 : i32
      %add3A_260 = arith.constant 1 : i32
      %add3A_261 = arith.addi %mul3A_259, %add3A_260 : i32
      %dma_start3A_262 = arith.constant 0 : i32
      %dma_start3A_263 = tpu.memref_slice %arg4[%add3A_261, %mul3A_2, %dma_start3A_262] : memref<50x4096x128xf32, #tpu.memory_space<hbm>> -> memref<1x128x128xf32, #tpu.memory_space<hbm>>
      %dma_start3A_264 = tpu.memref_squeeze %dma_start3A_263 : memref<1x128x128xf32, #tpu.memory_space<hbm>> -> memref<128x128xf32, #tpu.memory_space<hbm>>
      %dma_start3A_265 = arith.constant 0 : i32
      %dma_start3A_266 = tpu.memref_slice %arg4[%add3A_261, %mul3A_2, %dma_start3A_265] : memref<50x4096x128xf32, #tpu.memory_space<hbm>> -> memref<1x128x128xf32, #tpu.memory_space<hbm>>
      %dma_start3A_267 = tpu.memref_squeeze %dma_start3A_266 : memref<1x128x128xf32, #tpu.memory_space<hbm>> -> memref<128x128xf32, #tpu.memory_space<hbm>>
      tpu.enqueue_dma source(%arg7 : memref<128x128xf32, #tpu.memory_space<vmem>>) target(%dma_start3A_267 : memref<128x128xf32, #tpu.memory_space<hbm>>) target_semaphore(%arg21 : memref<!tpu.dma_semaphore, #tpu.memory_space<semaphore_mem>>)
      %dma_wait3A_268 = arith.constant 0 : i32
      %dma_wait3A_269 = arith.constant 0 : i32
      %dma_wait3A_270 = tpu.memref_slice %arg5[%dma_wait3A_268, %dma_wait3A_269] : memref<50x128xi32, #tpu.memory_space<vmem>> -> memref<1x128xi32, #tpu.memory_space<vmem>>
      %dma_wait3A_271 = tpu.memref_squeeze %dma_wait3A_270 : memref<1x128xi32, #tpu.memory_space<vmem>> -> memref<128xi32, #tpu.memory_space<vmem>>
      %dma_wait3A_272 = arith.constant 0 : i32
      %dma_wait3A_273 = arith.constant 0 : i32
      %dma_wait3A_274 = tpu.memref_slice %arg3[%dma_wait3A_272, %dma_wait3A_273] : memref<100001x128xf32, #tpu.memory_space<hbm>> -> memref<100001x128xf32, #tpu.memory_space<hbm>>
      tpu.wait_indirect_dma semaphore(%arg15 : memref<!tpu.dma_semaphore, #tpu.memory_space<semaphore_mem>>) src(%dma_wait3A_274 : memref<100001x128xf32, #tpu.memory_space<hbm>>) dst(%arg8 : memref<128x128xf32, #tpu.memory_space<vmem>>)
      %mul3A_275 = arith.constant 7 : i32
      %mul3A_276 = arith.muli %add3A_233, %mul3A_275 : i32
      %add3A_277 = arith.constant 2 : i32
      %add3A_278 = arith.addi %mul3A_276, %add3A_277 : i32
      %dma_start3A_279 = arith.constant 0 : i32
      %dma_start3A_280 = tpu.memref_slice %arg4[%add3A_278, %mul3A_2, %dma_start3A_279] : memref<50x4096x128xf32, #tpu.memory_space<hbm>> -> memref<1x128x128xf32, #tpu.memory_space<hbm>>
      %dma_start3A_281 = tpu.memref_squeeze %dma_start3A_280 : memref<1x128x128xf32, #tpu.memory_space<hbm>> -> memref<128x128xf32, #tpu.memory_space<hbm>>
      %dma_start3A_282 = arith.constant 0 : i32
      %dma_start3A_283 = tpu.memref_slice %arg4[%add3A_278, %mul3A_2, %dma_start3A_282] : memref<50x4096x128xf32, #tpu.memory_space<hbm>> -> memref<1x128x128xf32, #tpu.memory_space<hbm>>
      %dma_start3A_284 = tpu.memref_squeeze %dma_start3A_283 : memref<1x128x128xf32, #tpu.memory_space<hbm>> -> memref<128x128xf32, #tpu.memory_space<hbm>>
      tpu.enqueue_dma source(%arg8 : memref<128x128xf32, #tpu.memory_space<vmem>>) target(%dma_start3A_284 : memref<128x128xf32, #tpu.memory_space<hbm>>) target_semaphore(%arg22 : memref<!tpu.dma_semaphore, #tpu.memory_space<semaphore_mem>>)
      %dma_wait3A_285 = arith.constant 0 : i32
      %dma_wait3A_286 = arith.constant 0 : i32
      %dma_wait3A_287 = tpu.memref_slice %arg5[%dma_wait3A_285, %dma_wait3A_286] : memref<50x128xi32, #tpu.memory_space<vmem>> -> memref<1x128xi32, #tpu.memory_space<vmem>>
      %dma_wait3A_288 = tpu.memref_squeeze %dma_wait3A_287 : memref<1x128xi32, #tpu.memory_space<vmem>> -> memref<128xi32, #tpu.memory_space<vmem>>
      %dma_wait3A_289 = arith.constant 0 : i32
      %dma_wait3A_290 = arith.constant 0 : i32
      %dma_wait3A_291 = tpu.memref_slice %arg3[%dma_wait3A_289, %dma_wait3A_290] : memref<100001x128xf32, #tpu.memory_space<hbm>> -> memref<100001x128xf32, #tpu.memory_space<hbm>>
      tpu.wait_indirect_dma semaphore(%arg16 : memref<!tpu.dma_semaphore, #tpu.memory_space<semaphore_mem>>) src(%dma_wait3A_291 : memref<100001x128xf32, #tpu.memory_space<hbm>>) dst(%arg9 : memref<128x128xf32, #tpu.memory_space<vmem>>)
      %mul3A_292 = arith.constant 7 : i32
      %mul3A_293 = arith.muli %add3A_233, %mul3A_292 : i32
      %add3A_294 = arith.constant 3 : i32
      %add3A_295 = arith.addi %mul3A_293, %add3A_294 : i32
      %dma_start3A_296 = arith.constant 0 : i32
      %dma_start3A_297 = tpu.memref_slice %arg4[%add3A_295, %mul3A_2, %dma_start3A_296] : memref<50x4096x128xf32, #tpu.memory_space<hbm>> -> memref<1x128x128xf32, #tpu.memory_space<hbm>>
      %dma_start3A_298 = tpu.memref_squeeze %dma_start3A_297 : memref<1x128x128xf32, #tpu.memory_space<hbm>> -> memref<128x128xf32, #tpu.memory_space<hbm>>
      %dma_start3A_299 = arith.constant 0 : i32
      %dma_start3A_300 = tpu.memref_slice %arg4[%add3A_295, %mul3A_2, %dma_start3A_299] : memref<50x4096x128xf32, #tpu.memory_space<hbm>> -> memref<1x128x128xf32, #tpu.memory_space<hbm>>
      %dma_start3A_301 = tpu.memref_squeeze %dma_start3A_300 : memref<1x128x128xf32, #tpu.memory_space<hbm>> -> memref<128x128xf32, #tpu.memory_space<hbm>>
      tpu.enqueue_dma source(%arg9 : memref<128x128xf32, #tpu.memory_space<vmem>>) target(%dma_start3A_301 : memref<128x128xf32, #tpu.memory_space<hbm>>) target_semaphore(%arg23 : memref<!tpu.dma_semaphore, #tpu.memory_space<semaphore_mem>>)
      %dma_wait3A_302 = arith.constant 0 : i32
      %dma_wait3A_303 = arith.constant 0 : i32
      %dma_wait3A_304 = tpu.memref_slice %arg5[%dma_wait3A_302, %dma_wait3A_303] : memref<50x128xi32, #tpu.memory_space<vmem>> -> memref<1x128xi32, #tpu.memory_space<vmem>>
      %dma_wait3A_305 = tpu.memref_squeeze %dma_wait3A_304 : memref<1x128xi32, #tpu.memory_space<vmem>> -> memref<128xi32, #tpu.memory_space<vmem>>
      %dma_wait3A_306 = arith.constant 0 : i32
      %dma_wait3A_307 = arith.constant 0 : i32
      %dma_wait3A_308 = tpu.memref_slice %arg3[%dma_wait3A_306, %dma_wait3A_307] : memref<100001x128xf32, #tpu.memory_space<hbm>> -> memref<100001x128xf32, #tpu.memory_space<hbm>>
      tpu.wait_indirect_dma semaphore(%arg17 : memref<!tpu.dma_semaphore, #tpu.memory_space<semaphore_mem>>) src(%dma_wait3A_308 : memref<100001x128xf32, #tpu.memory_space<hbm>>) dst(%arg10 : memref<128x128xf32, #tpu.memory_space<vmem>>)
      %mul3A_309 = arith.constant 7 : i32
      %mul3A_310 = arith.muli %add3A_233, %mul3A_309 : i32
      %add3A_311 = arith.constant 4 : i32
      %add3A_312 = arith.addi %mul3A_310, %add3A_311 : i32
      %dma_start3A_313 = arith.constant 0 : i32
      %dma_start3A_314 = tpu.memref_slice %arg4[%add3A_312, %mul3A_2, %dma_start3A_313] : memref<50x4096x128xf32, #tpu.memory_space<hbm>> -> memref<1x128x128xf32, #tpu.memory_space<hbm>>
      %dma_start3A_315 = tpu.memref_squeeze %dma_start3A_314 : memref<1x128x128xf32, #tpu.memory_space<hbm>> -> memref<128x128xf32, #tpu.memory_space<hbm>>
      %dma_start3A_316 = arith.constant 0 : i32
      %dma_start3A_317 = tpu.memref_slice %arg4[%add3A_312, %mul3A_2, %dma_start3A_316] : memref<50x4096x128xf32, #tpu.memory_space<hbm>> -> memref<1x128x128xf32, #tpu.memory_space<hbm>>
      %dma_start3A_318 = tpu.memref_squeeze %dma_start3A_317 : memref<1x128x128xf32, #tpu.memory_space<hbm>> -> memref<128x128xf32, #tpu.memory_space<hbm>>
      tpu.enqueue_dma source(%arg10 : memref<128x128xf32, #tpu.memory_space<vmem>>) target(%dma_start3A_318 : memref<128x128xf32, #tpu.memory_space<hbm>>) target_semaphore(%arg24 : memref<!tpu.dma_semaphore, #tpu.memory_space<semaphore_mem>>)
      %dma_wait3A_319 = arith.constant 0 : i32
      %dma_wait3A_320 = arith.constant 0 : i32
      %dma_wait3A_321 = tpu.memref_slice %arg5[%dma_wait3A_319, %dma_wait3A_320] : memref<50x128xi32, #tpu.memory_space<vmem>> -> memref<1x128xi32, #tpu.memory_space<vmem>>
      %dma_wait3A_322 = tpu.memref_squeeze %dma_wait3A_321 : memref<1x128xi32, #tpu.memory_space<vmem>> -> memref<128xi32, #tpu.memory_space<vmem>>
      %dma_wait3A_323 = arith.constant 0 : i32
      %dma_wait3A_324 = arith.constant 0 : i32
      %dma_wait3A_325 = tpu.memref_slice %arg3[%dma_wait3A_323, %dma_wait3A_324] : memref<100001x128xf32, #tpu.memory_space<hbm>> -> memref<100001x128xf32, #tpu.memory_space<hbm>>
      tpu.wait_indirect_dma semaphore(%arg18 : memref<!tpu.dma_semaphore, #tpu.memory_space<semaphore_mem>>) src(%dma_wait3A_325 : memref<100001x128xf32, #tpu.memory_space<hbm>>) dst(%arg11 : memref<128x128xf32, #tpu.memory_space<vmem>>)
      %mul3A_326 = arith.constant 7 : i32
      %mul3A_327 = arith.muli %add3A_233, %mul3A_326 : i32
      %add3A_328 = arith.constant 5 : i32
      %add3A_329 = arith.addi %mul3A_327, %add3A_328 : i32
      %dma_start3A_330 = arith.constant 0 : i32
      %dma_start3A_331 = tpu.memref_slice %arg4[%add3A_329, %mul3A_2, %dma_start3A_330] : memref<50x4096x128xf32, #tpu.memory_space<hbm>> -> memref<1x128x128xf32, #tpu.memory_space<hbm>>
      %dma_start3A_332 = tpu.memref_squeeze %dma_start3A_331 : memref<1x128x128xf32, #tpu.memory_space<hbm>> -> memref<128x128xf32, #tpu.memory_space<hbm>>
      %dma_start3A_333 = arith.constant 0 : i32
      %dma_start3A_334 = tpu.memref_slice %arg4[%add3A_329, %mul3A_2, %dma_start3A_333] : memref<50x4096x128xf32, #tpu.memory_space<hbm>> -> memref<1x128x128xf32, #tpu.memory_space<hbm>>
      %dma_start3A_335 = tpu.memref_squeeze %dma_start3A_334 : memref<1x128x128xf32, #tpu.memory_space<hbm>> -> memref<128x128xf32, #tpu.memory_space<hbm>>
      tpu.enqueue_dma source(%arg11 : memref<128x128xf32, #tpu.memory_space<vmem>>) target(%dma_start3A_335 : memref<128x128xf32, #tpu.memory_space<hbm>>) target_semaphore(%arg25 : memref<!tpu.dma_semaphore, #tpu.memory_space<semaphore_mem>>)
      %dma_wait3A_336 = arith.constant 0 : i32
      %dma_wait3A_337 = arith.constant 0 : i32
      %dma_wait3A_338 = tpu.memref_slice %arg5[%dma_wait3A_336, %dma_wait3A_337] : memref<50x128xi32, #tpu.memory_space<vmem>> -> memref<1x128xi32, #tpu.memory_space<vmem>>
      %dma_wait3A_339 = tpu.memref_squeeze %dma_wait3A_338 : memref<1x128xi32, #tpu.memory_space<vmem>> -> memref<128xi32, #tpu.memory_space<vmem>>
      %dma_wait3A_340 = arith.constant 0 : i32
      %dma_wait3A_341 = arith.constant 0 : i32
      %dma_wait3A_342 = tpu.memref_slice %arg3[%dma_wait3A_340, %dma_wait3A_341] : memref<100001x128xf32, #tpu.memory_space<hbm>> -> memref<100001x128xf32, #tpu.memory_space<hbm>>
      tpu.wait_indirect_dma semaphore(%arg19 : memref<!tpu.dma_semaphore, #tpu.memory_space<semaphore_mem>>) src(%dma_wait3A_342 : memref<100001x128xf32, #tpu.memory_space<hbm>>) dst(%arg12 : memref<128x128xf32, #tpu.memory_space<vmem>>)
      %mul3A_343 = arith.constant 7 : i32
      %mul3A_344 = arith.muli %add3A_233, %mul3A_343 : i32
      %add3A_345 = arith.constant 6 : i32
      %add3A_346 = arith.addi %mul3A_344, %add3A_345 : i32
      %dma_start3A_347 = arith.constant 0 : i32
      %dma_start3A_348 = tpu.memref_slice %arg4[%add3A_346, %mul3A_2, %dma_start3A_347] : memref<50x4096x128xf32, #tpu.memory_space<hbm>> -> memref<1x128x128xf32, #tpu.memory_space<hbm>>
      %dma_start3A_349 = tpu.memref_squeeze %dma_start3A_348 : memref<1x128x128xf32, #tpu.memory_space<hbm>> -> memref<128x128xf32, #tpu.memory_space<hbm>>
      %dma_start3A_350 = arith.constant 0 : i32
      %dma_start3A_351 = tpu.memref_slice %arg4[%add3A_346, %mul3A_2, %dma_start3A_350] : memref<50x4096x128xf32, #tpu.memory_space<hbm>> -> memref<1x128x128xf32, #tpu.memory_space<hbm>>
      %dma_start3A_352 = tpu.memref_squeeze %dma_start3A_351 : memref<1x128x128xf32, #tpu.memory_space<hbm>> -> memref<128x128xf32, #tpu.memory_space<hbm>>
      tpu.enqueue_dma source(%arg12 : memref<128x128xf32, #tpu.memory_space<vmem>>) target(%dma_start3A_352 : memref<128x128xf32, #tpu.memory_space<hbm>>) target_semaphore(%arg26 : memref<!tpu.dma_semaphore, #tpu.memory_space<semaphore_mem>>)
      %dma_wait3A_353 = arith.constant 0 : i32
      %dma_wait3A_354 = arith.constant 0 : i32
      %dma_wait3A_355 = tpu.memref_slice %arg4[%dma_wait3A_353, %mul3A_2, %dma_wait3A_354] : memref<50x4096x128xf32, #tpu.memory_space<hbm>> -> memref<1x128x128xf32, #tpu.memory_space<hbm>>
      %dma_wait3A_356 = tpu.memref_squeeze %dma_wait3A_355 : memref<1x128x128xf32, #tpu.memory_space<hbm>> -> memref<128x128xf32, #tpu.memory_space<hbm>>
      %dma_wait3A_357 = arith.constant 0 : i32
      %dma_wait3A_358 = tpu.memref_slice %arg4[%dma_wait3A_353, %mul3A_2, %dma_wait3A_357] : memref<50x4096x128xf32, #tpu.memory_space<hbm>> -> memref<1x128x128xf32, #tpu.memory_space<hbm>>
      %dma_wait3A_359 = tpu.memref_squeeze %dma_wait3A_358 : memref<1x128x128xf32, #tpu.memory_space<hbm>> -> memref<128x128xf32, #tpu.memory_space<hbm>>
      tpu.wait_dma2 semaphore(%arg20 : memref<!tpu.dma_semaphore, #tpu.memory_space<semaphore_mem>>) src(%arg6 : memref<128x128xf32, #tpu.memory_space<vmem>>) dst(%dma_wait3A_359 : memref<128x128xf32, #tpu.memory_space<hbm>>)
      %add3A_360 = arith.constant 1 : i32
      %add3A_361 = arith.addi %add3A_233, %add3A_360 : i32
      %mul3A_362 = arith.constant 7 : i32
      %mul3A_363 = arith.muli %add3A_361, %mul3A_362 : i32
      %add3A_364 = arith.constant 0 : i32
      %add3A_365 = arith.addi %mul3A_363, %add3A_364 : i32
      %dma_start3A_366 = arith.constant 0 : i32
      %dma_start3A_367 = tpu.memref_slice %arg5[%add3A_365, %dma_start3A_366] : memref<50x128xi32, #tpu.memory_space<vmem>> -> memref<1x128xi32, #tpu.memory_space<vmem>>
      %dma_start3A_368 = tpu.memref_squeeze %dma_start3A_367 : memref<1x128xi32, #tpu.memory_space<vmem>> -> memref<128xi32, #tpu.memory_space<vmem>>
      %dma_start3A_369 = arith.constant 0 : i32
      %dma_start3A_370 = arith.constant 0 : i32
      %dma_start3A_371 = tpu.memref_slice %arg3[%dma_start3A_369, %dma_start3A_370] : memref<100001x128xf32, #tpu.memory_space<hbm>> -> memref<100001x128xf32, #tpu.memory_space<hbm>>
      tpu.enqueue_indirect_dma source(%dma_start3A_371 : memref<100001x128xf32, #tpu.memory_space<hbm>>) target(%arg6 : memref<128x128xf32, #tpu.memory_space<vmem>>) offsets(%dma_start3A_368 : memref<128xi32, #tpu.memory_space<vmem>>) semaphore(%arg13 : memref<!tpu.dma_semaphore, #tpu.memory_space<semaphore_mem>>)
      %dma_wait3A_372 = arith.constant 0 : i32
      %dma_wait3A_373 = arith.constant 0 : i32
      %dma_wait3A_374 = tpu.memref_slice %arg4[%dma_wait3A_372, %mul3A_2, %dma_wait3A_373] : memref<50x4096x128xf32, #tpu.memory_space<hbm>> -> memref<1x128x128xf32, #tpu.memory_space<hbm>>
      %dma_wait3A_375 = tpu.memref_squeeze %dma_wait3A_374 : memref<1x128x128xf32, #tpu.memory_space<hbm>> -> memref<128x128xf32, #tpu.memory_space<hbm>>
      %dma_wait3A_376 = arith.constant 0 : i32
      %dma_wait3A_377 = tpu.memref_slice %arg4[%dma_wait3A_372, %mul3A_2, %dma_wait3A_376] : memref<50x4096x128xf32, #tpu.memory_space<hbm>> -> memref<1x128x128xf32, #tpu.memory_space<hbm>>
      %dma_wait3A_378 = tpu.memref_squeeze %dma_wait3A_377 : memref<1x128x128xf32, #tpu.memory_space<hbm>> -> memref<128x128xf32, #tpu.memory_space<hbm>>
      tpu.wait_dma2 semaphore(%arg21 : memref<!tpu.dma_semaphore, #tpu.memory_space<semaphore_mem>>) src(%arg7 : memref<128x128xf32, #tpu.memory_space<vmem>>) dst(%dma_wait3A_378 : memref<128x128xf32, #tpu.memory_space<hbm>>)
      %add3A_379 = arith.constant 1 : i32
      %add3A_380 = arith.addi %add3A_233, %add3A_379 : i32
      %mul3A_381 = arith.constant 7 : i32
      %mul3A_382 = arith.muli %add3A_380, %mul3A_381 : i32
      %add3A_383 = arith.constant 1 : i32
      %add3A_384 = arith.addi %mul3A_382, %add3A_383 : i32
      %dma_start3A_385 = arith.constant 0 : i32
      %dma_start3A_386 = tpu.memref_slice %arg5[%add3A_384, %dma_start3A_385] : memref<50x128xi32, #tpu.memory_space<vmem>> -> memref<1x128xi32, #tpu.memory_space<vmem>>
      %dma_start3A_387 = tpu.memref_squeeze %dma_start3A_386 : memref<1x128xi32, #tpu.memory_space<vmem>> -> memref<128xi32, #tpu.memory_space<vmem>>
      %dma_start3A_388 = arith.constant 0 : i32
      %dma_start3A_389 = arith.constant 0 : i32
      %dma_start3A_390 = tpu.memref_slice %arg3[%dma_start3A_388, %dma_start3A_389] : memref<100001x128xf32, #tpu.memory_space<hbm>> -> memref<100001x128xf32, #tpu.memory_space<hbm>>
      tpu.enqueue_indirect_dma source(%dma_start3A_390 : memref<100001x128xf32, #tpu.memory_space<hbm>>) target(%arg7 : memref<128x128xf32, #tpu.memory_space<vmem>>) offsets(%dma_start3A_387 : memref<128xi32, #tpu.memory_space<vmem>>) semaphore(%arg14 : memref<!tpu.dma_semaphore, #tpu.memory_space<semaphore_mem>>)
      %dma_wait3A_391 = arith.constant 0 : i32
      %dma_wait3A_392 = arith.constant 0 : i32
      %dma_wait3A_393 = tpu.memref_slice %arg4[%dma_wait3A_391, %mul3A_2, %dma_wait3A_392] : memref<50x4096x128xf32, #tpu.memory_space<hbm>> -> memref<1x128x128xf32, #tpu.memory_space<hbm>>
      %dma_wait3A_394 = tpu.memref_squeeze %dma_wait3A_393 : memref<1x128x128xf32, #tpu.memory_space<hbm>> -> memref<128x128xf32, #tpu.memory_space<hbm>>
      %dma_wait3A_395 = arith.constant 0 : i32
      %dma_wait3A_396 = tpu.memref_slice %arg4[%dma_wait3A_391, %mul3A_2, %dma_wait3A_395] : memref<50x4096x128xf32, #tpu.memory_space<hbm>> -> memref<1x128x128xf32, #tpu.memory_space<hbm>>
      %dma_wait3A_397 = tpu.memref_squeeze %dma_wait3A_396 : memref<1x128x128xf32, #tpu.memory_space<hbm>> -> memref<128x128xf32, #tpu.memory_space<hbm>>
      tpu.wait_dma2 semaphore(%arg22 : memref<!tpu.dma_semaphore, #tpu.memory_space<semaphore_mem>>) src(%arg8 : memref<128x128xf32, #tpu.memory_space<vmem>>) dst(%dma_wait3A_397 : memref<128x128xf32, #tpu.memory_space<hbm>>)
      %add3A_398 = arith.constant 1 : i32
      %add3A_399 = arith.addi %add3A_233, %add3A_398 : i32
      %mul3A_400 = arith.constant 7 : i32
      %mul3A_401 = arith.muli %add3A_399, %mul3A_400 : i32
      %add3A_402 = arith.constant 2 : i32
      %add3A_403 = arith.addi %mul3A_401, %add3A_402 : i32
      %dma_start3A_404 = arith.constant 0 : i32
      %dma_start3A_405 = tpu.memref_slice %arg5[%add3A_403, %dma_start3A_404] : memref<50x128xi32, #tpu.memory_space<vmem>> -> memref<1x128xi32, #tpu.memory_space<vmem>>
      %dma_start3A_406 = tpu.memref_squeeze %dma_start3A_405 : memref<1x128xi32, #tpu.memory_space<vmem>> -> memref<128xi32, #tpu.memory_space<vmem>>
      %dma_start3A_407 = arith.constant 0 : i32
      %dma_start3A_408 = arith.constant 0 : i32
      %dma_start3A_409 = tpu.memref_slice %arg3[%dma_start3A_407, %dma_start3A_408] : memref<100001x128xf32, #tpu.memory_space<hbm>> -> memref<100001x128xf32, #tpu.memory_space<hbm>>
      tpu.enqueue_indirect_dma source(%dma_start3A_409 : memref<100001x128xf32, #tpu.memory_space<hbm>>) target(%arg8 : memref<128x128xf32, #tpu.memory_space<vmem>>) offsets(%dma_start3A_406 : memref<128xi32, #tpu.memory_space<vmem>>) semaphore(%arg15 : memref<!tpu.dma_semaphore, #tpu.memory_space<semaphore_mem>>)
      %dma_wait3A_410 = arith.constant 0 : i32
      %dma_wait3A_411 = arith.constant 0 : i32
      %dma_wait3A_412 = tpu.memref_slice %arg4[%dma_wait3A_410, %mul3A_2, %dma_wait3A_411] : memref<50x4096x128xf32, #tpu.memory_space<hbm>> -> memref<1x128x128xf32, #tpu.memory_space<hbm>>
      %dma_wait3A_413 = tpu.memref_squeeze %dma_wait3A_412 : memref<1x128x128xf32, #tpu.memory_space<hbm>> -> memref<128x128xf32, #tpu.memory_space<hbm>>
      %dma_wait3A_414 = arith.constant 0 : i32
      %dma_wait3A_415 = tpu.memref_slice %arg4[%dma_wait3A_410, %mul3A_2, %dma_wait3A_414] : memref<50x4096x128xf32, #tpu.memory_space<hbm>> -> memref<1x128x128xf32, #tpu.memory_space<hbm>>
      %dma_wait3A_416 = tpu.memref_squeeze %dma_wait3A_415 : memref<1x128x128xf32, #tpu.memory_space<hbm>> -> memref<128x128xf32, #tpu.memory_space<hbm>>
      tpu.wait_dma2 semaphore(%arg23 : memref<!tpu.dma_semaphore, #tpu.memory_space<semaphore_mem>>) src(%arg9 : memref<128x128xf32, #tpu.memory_space<vmem>>) dst(%dma_wait3A_416 : memref<128x128xf32, #tpu.memory_space<hbm>>)
      %add3A_417 = arith.constant 1 : i32
      %add3A_418 = arith.addi %add3A_233, %add3A_417 : i32
      %mul3A_419 = arith.constant 7 : i32
      %mul3A_420 = arith.muli %add3A_418, %mul3A_419 : i32
      %add3A_421 = arith.constant 3 : i32
      %add3A_422 = arith.addi %mul3A_420, %add3A_421 : i32
      %dma_start3A_423 = arith.constant 0 : i32
      %dma_start3A_424 = tpu.memref_slice %arg5[%add3A_422, %dma_start3A_423] : memref<50x128xi32, #tpu.memory_space<vmem>> -> memref<1x128xi32, #tpu.memory_space<vmem>>
      %dma_start3A_425 = tpu.memref_squeeze %dma_start3A_424 : memref<1x128xi32, #tpu.memory_space<vmem>> -> memref<128xi32, #tpu.memory_space<vmem>>
      %dma_start3A_426 = arith.constant 0 : i32
      %dma_start3A_427 = arith.constant 0 : i32
      %dma_start3A_428 = tpu.memref_slice %arg3[%dma_start3A_426, %dma_start3A_427] : memref<100001x128xf32, #tpu.memory_space<hbm>> -> memref<100001x128xf32, #tpu.memory_space<hbm>>
      tpu.enqueue_indirect_dma source(%dma_start3A_428 : memref<100001x128xf32, #tpu.memory_space<hbm>>) target(%arg9 : memref<128x128xf32, #tpu.memory_space<vmem>>) offsets(%dma_start3A_425 : memref<128xi32, #tpu.memory_space<vmem>>) semaphore(%arg16 : memref<!tpu.dma_semaphore, #tpu.memory_space<semaphore_mem>>)
      %dma_wait3A_429 = arith.constant 0 : i32
      %dma_wait3A_430 = arith.constant 0 : i32
      %dma_wait3A_431 = tpu.memref_slice %arg4[%dma_wait3A_429, %mul3A_2, %dma_wait3A_430] : memref<50x4096x128xf32, #tpu.memory_space<hbm>> -> memref<1x128x128xf32, #tpu.memory_space<hbm>>
      %dma_wait3A_432 = tpu.memref_squeeze %dma_wait3A_431 : memref<1x128x128xf32, #tpu.memory_space<hbm>> -> memref<128x128xf32, #tpu.memory_space<hbm>>
      %dma_wait3A_433 = arith.constant 0 : i32
      %dma_wait3A_434 = tpu.memref_slice %arg4[%dma_wait3A_429, %mul3A_2, %dma_wait3A_433] : memref<50x4096x128xf32, #tpu.memory_space<hbm>> -> memref<1x128x128xf32, #tpu.memory_space<hbm>>
      %dma_wait3A_435 = tpu.memref_squeeze %dma_wait3A_434 : memref<1x128x128xf32, #tpu.memory_space<hbm>> -> memref<128x128xf32, #tpu.memory_space<hbm>>
      tpu.wait_dma2 semaphore(%arg24 : memref<!tpu.dma_semaphore, #tpu.memory_space<semaphore_mem>>) src(%arg10 : memref<128x128xf32, #tpu.memory_space<vmem>>) dst(%dma_wait3A_435 : memref<128x128xf32, #tpu.memory_space<hbm>>)
      %add3A_436 = arith.constant 1 : i32
      %add3A_437 = arith.addi %add3A_233, %add3A_436 : i32
      %mul3A_438 = arith.constant 7 : i32
      %mul3A_439 = arith.muli %add3A_437, %mul3A_438 : i32
      %add3A_440 = arith.constant 4 : i32
      %add3A_441 = arith.addi %mul3A_439, %add3A_440 : i32
      %dma_start3A_442 = arith.constant 0 : i32
      %dma_start3A_443 = tpu.memref_slice %arg5[%add3A_441, %dma_start3A_442] : memref<50x128xi32, #tpu.memory_space<vmem>> -> memref<1x128xi32, #tpu.memory_space<vmem>>
      %dma_start3A_444 = tpu.memref_squeeze %dma_start3A_443 : memref<1x128xi32, #tpu.memory_space<vmem>> -> memref<128xi32, #tpu.memory_space<vmem>>
      %dma_start3A_445 = arith.constant 0 : i32
      %dma_start3A_446 = arith.constant 0 : i32
      %dma_start3A_447 = tpu.memref_slice %arg3[%dma_start3A_445, %dma_start3A_446] : memref<100001x128xf32, #tpu.memory_space<hbm>> -> memref<100001x128xf32, #tpu.memory_space<hbm>>
      tpu.enqueue_indirect_dma source(%dma_start3A_447 : memref<100001x128xf32, #tpu.memory_space<hbm>>) target(%arg10 : memref<128x128xf32, #tpu.memory_space<vmem>>) offsets(%dma_start3A_444 : memref<128xi32, #tpu.memory_space<vmem>>) semaphore(%arg17 : memref<!tpu.dma_semaphore, #tpu.memory_space<semaphore_mem>>)
      %dma_wait3A_448 = arith.constant 0 : i32
      %dma_wait3A_449 = arith.constant 0 : i32
      %dma_wait3A_450 = tpu.memref_slice %arg4[%dma_wait3A_448, %mul3A_2, %dma_wait3A_449] : memref<50x4096x128xf32, #tpu.memory_space<hbm>> -> memref<1x128x128xf32, #tpu.memory_space<hbm>>
      %dma_wait3A_451 = tpu.memref_squeeze %dma_wait3A_450 : memref<1x128x128xf32, #tpu.memory_space<hbm>> -> memref<128x128xf32, #tpu.memory_space<hbm>>
      %dma_wait3A_452 = arith.constant 0 : i32
      %dma_wait3A_453 = tpu.memref_slice %arg4[%dma_wait3A_448, %mul3A_2, %dma_wait3A_452] : memref<50x4096x128xf32, #tpu.memory_space<hbm>> -> memref<1x128x128xf32, #tpu.memory_space<hbm>>
      %dma_wait3A_454 = tpu.memref_squeeze %dma_wait3A_453 : memref<1x128x128xf32, #tpu.memory_space<hbm>> -> memref<128x128xf32, #tpu.memory_space<hbm>>
      tpu.wait_dma2 semaphore(%arg25 : memref<!tpu.dma_semaphore, #tpu.memory_space<semaphore_mem>>) src(%arg11 : memref<128x128xf32, #tpu.memory_space<vmem>>) dst(%dma_wait3A_454 : memref<128x128xf32, #tpu.memory_space<hbm>>)
      %add3A_455 = arith.constant 1 : i32
      %add3A_456 = arith.addi %add3A_233, %add3A_455 : i32
      %mul3A_457 = arith.constant 7 : i32
      %mul3A_458 = arith.muli %add3A_456, %mul3A_457 : i32
      %add3A_459 = arith.constant 5 : i32
      %add3A_460 = arith.addi %mul3A_458, %add3A_459 : i32
      %dma_start3A_461 = arith.constant 0 : i32
      %dma_start3A_462 = tpu.memref_slice %arg5[%add3A_460, %dma_start3A_461] : memref<50x128xi32, #tpu.memory_space<vmem>> -> memref<1x128xi32, #tpu.memory_space<vmem>>
      %dma_start3A_463 = tpu.memref_squeeze %dma_start3A_462 : memref<1x128xi32, #tpu.memory_space<vmem>> -> memref<128xi32, #tpu.memory_space<vmem>>
      %dma_start3A_464 = arith.constant 0 : i32
      %dma_start3A_465 = arith.constant 0 : i32
      %dma_start3A_466 = tpu.memref_slice %arg3[%dma_start3A_464, %dma_start3A_465] : memref<100001x128xf32, #tpu.memory_space<hbm>> -> memref<100001x128xf32, #tpu.memory_space<hbm>>
      tpu.enqueue_indirect_dma source(%dma_start3A_466 : memref<100001x128xf32, #tpu.memory_space<hbm>>) target(%arg11 : memref<128x128xf32, #tpu.memory_space<vmem>>) offsets(%dma_start3A_463 : memref<128xi32, #tpu.memory_space<vmem>>) semaphore(%arg18 : memref<!tpu.dma_semaphore, #tpu.memory_space<semaphore_mem>>)
      %dma_wait3A_467 = arith.constant 0 : i32
      %dma_wait3A_468 = arith.constant 0 : i32
      %dma_wait3A_469 = tpu.memref_slice %arg4[%dma_wait3A_467, %mul3A_2, %dma_wait3A_468] : memref<50x4096x128xf32, #tpu.memory_space<hbm>> -> memref<1x128x128xf32, #tpu.memory_space<hbm>>
      %dma_wait3A_470 = tpu.memref_squeeze %dma_wait3A_469 : memref<1x128x128xf32, #tpu.memory_space<hbm>> -> memref<128x128xf32, #tpu.memory_space<hbm>>
      %dma_wait3A_471 = arith.constant 0 : i32
      %dma_wait3A_472 = tpu.memref_slice %arg4[%dma_wait3A_467, %mul3A_2, %dma_wait3A_471] : memref<50x4096x128xf32, #tpu.memory_space<hbm>> -> memref<1x128x128xf32, #tpu.memory_space<hbm>>
      %dma_wait3A_473 = tpu.memref_squeeze %dma_wait3A_472 : memref<1x128x128xf32, #tpu.memory_space<hbm>> -> memref<128x128xf32, #tpu.memory_space<hbm>>
      tpu.wait_dma2 semaphore(%arg26 : memref<!tpu.dma_semaphore, #tpu.memory_space<semaphore_mem>>) src(%arg12 : memref<128x128xf32, #tpu.memory_space<vmem>>) dst(%dma_wait3A_473 : memref<128x128xf32, #tpu.memory_space<hbm>>)
      %add3A_474 = arith.constant 1 : i32
      %add3A_475 = arith.addi %add3A_233, %add3A_474 : i32
      %mul3A_476 = arith.constant 7 : i32
      %mul3A_477 = arith.muli %add3A_475, %mul3A_476 : i32
      %add3A_478 = arith.constant 6 : i32
      %add3A_479 = arith.addi %mul3A_477, %add3A_478 : i32
      %dma_start3A_480 = arith.constant 0 : i32
      %dma_start3A_481 = tpu.memref_slice %arg5[%add3A_479, %dma_start3A_480] : memref<50x128xi32, #tpu.memory_space<vmem>> -> memref<1x128xi32, #tpu.memory_space<vmem>>
      %dma_start3A_482 = tpu.memref_squeeze %dma_start3A_481 : memref<1x128xi32, #tpu.memory_space<vmem>> -> memref<128xi32, #tpu.memory_space<vmem>>
      %dma_start3A_483 = arith.constant 0 : i32
      %dma_start3A_484 = arith.constant 0 : i32
      %dma_start3A_485 = tpu.memref_slice %arg3[%dma_start3A_483, %dma_start3A_484] : memref<100001x128xf32, #tpu.memory_space<hbm>> -> memref<100001x128xf32, #tpu.memory_space<hbm>>
      tpu.enqueue_indirect_dma source(%dma_start3A_485 : memref<100001x128xf32, #tpu.memory_space<hbm>>) target(%arg12 : memref<128x128xf32, #tpu.memory_space<vmem>>) offsets(%dma_start3A_482 : memref<128xi32, #tpu.memory_space<vmem>>) semaphore(%arg19 : memref<!tpu.dma_semaphore, #tpu.memory_space<semaphore_mem>>)
    }
    %scan3A_54 = arith.constant 6 : i32
    %dma_wait3A = arith.constant 0 : i32
    %dma_wait3A_55 = arith.constant 0 : i32
    %dma_wait3A_56 = tpu.memref_slice %arg5[%dma_wait3A, %dma_wait3A_55] : memref<50x128xi32, #tpu.memory_space<vmem>> -> memref<1x128xi32, #tpu.memory_space<vmem>>
    %dma_wait3A_57 = tpu.memref_squeeze %dma_wait3A_56 : memref<1x128xi32, #tpu.memory_space<vmem>> -> memref<128xi32, #tpu.memory_space<vmem>>
    %dma_wait3A_58 = arith.constant 0 : i32
    %dma_wait3A_59 = arith.constant 0 : i32
    %dma_wait3A_60 = tpu.memref_slice %arg3[%dma_wait3A_58, %dma_wait3A_59] : memref<100001x128xf32, #tpu.memory_space<hbm>> -> memref<100001x128xf32, #tpu.memory_space<hbm>>
    tpu.wait_indirect_dma semaphore(%arg13 : memref<!tpu.dma_semaphore, #tpu.memory_space<semaphore_mem>>) src(%dma_wait3A_60 : memref<100001x128xf32, #tpu.memory_space<hbm>>) dst(%arg6 : memref<128x128xf32, #tpu.memory_space<vmem>>)
    %dma_start3A_61 = arith.constant 42 : i32
    %dma_start3A_62 = arith.constant 0 : i32
    %dma_start3A_63 = tpu.memref_slice %arg4[%dma_start3A_61, %mul3A_2, %dma_start3A_62] : memref<50x4096x128xf32, #tpu.memory_space<hbm>> -> memref<1x128x128xf32, #tpu.memory_space<hbm>>
    %dma_start3A_64 = tpu.memref_squeeze %dma_start3A_63 : memref<1x128x128xf32, #tpu.memory_space<hbm>> -> memref<128x128xf32, #tpu.memory_space<hbm>>
    %dma_start3A_65 = arith.constant 0 : i32
    %dma_start3A_66 = tpu.memref_slice %arg4[%dma_start3A_61, %mul3A_2, %dma_start3A_65] : memref<50x4096x128xf32, #tpu.memory_space<hbm>> -> memref<1x128x128xf32, #tpu.memory_space<hbm>>
    %dma_start3A_67 = tpu.memref_squeeze %dma_start3A_66 : memref<1x128x128xf32, #tpu.memory_space<hbm>> -> memref<128x128xf32, #tpu.memory_space<hbm>>
    tpu.enqueue_dma source(%arg6 : memref<128x128xf32, #tpu.memory_space<vmem>>) target(%dma_start3A_67 : memref<128x128xf32, #tpu.memory_space<hbm>>) target_semaphore(%arg20 : memref<!tpu.dma_semaphore, #tpu.memory_space<semaphore_mem>>)
    %dma_wait3A_68 = arith.constant 0 : i32
    %dma_wait3A_69 = arith.constant 0 : i32
    %dma_wait3A_70 = tpu.memref_slice %arg5[%dma_wait3A_68, %dma_wait3A_69] : memref<50x128xi32, #tpu.memory_space<vmem>> -> memref<1x128xi32, #tpu.memory_space<vmem>>
    %dma_wait3A_71 = tpu.memref_squeeze %dma_wait3A_70 : memref<1x128xi32, #tpu.memory_space<vmem>> -> memref<128xi32, #tpu.memory_space<vmem>>
    %dma_wait3A_72 = arith.constant 0 : i32
    %dma_wait3A_73 = arith.constant 0 : i32
    %dma_wait3A_74 = tpu.memref_slice %arg3[%dma_wait3A_72, %dma_wait3A_73] : memref<100001x128xf32, #tpu.memory_space<hbm>> -> memref<100001x128xf32, #tpu.memory_space<hbm>>
    tpu.wait_indirect_dma semaphore(%arg14 : memref<!tpu.dma_semaphore, #tpu.memory_space<semaphore_mem>>) src(%dma_wait3A_74 : memref<100001x128xf32, #tpu.memory_space<hbm>>) dst(%arg7 : memref<128x128xf32, #tpu.memory_space<vmem>>)
    %dma_start3A_75 = arith.constant 43 : i32
    %dma_start3A_76 = arith.constant 0 : i32
    %dma_start3A_77 = tpu.memref_slice %arg4[%dma_start3A_75, %mul3A_2, %dma_start3A_76] : memref<50x4096x128xf32, #tpu.memory_space<hbm>> -> memref<1x128x128xf32, #tpu.memory_space<hbm>>
    %dma_start3A_78 = tpu.memref_squeeze %dma_start3A_77 : memref<1x128x128xf32, #tpu.memory_space<hbm>> -> memref<128x128xf32, #tpu.memory_space<hbm>>
    %dma_start3A_79 = arith.constant 0 : i32
    %dma_start3A_80 = tpu.memref_slice %arg4[%dma_start3A_75, %mul3A_2, %dma_start3A_79] : memref<50x4096x128xf32, #tpu.memory_space<hbm>> -> memref<1x128x128xf32, #tpu.memory_space<hbm>>
    %dma_start3A_81 = tpu.memref_squeeze %dma_start3A_80 : memref<1x128x128xf32, #tpu.memory_space<hbm>> -> memref<128x128xf32, #tpu.memory_space<hbm>>
    tpu.enqueue_dma source(%arg7 : memref<128x128xf32, #tpu.memory_space<vmem>>) target(%dma_start3A_81 : memref<128x128xf32, #tpu.memory_space<hbm>>) target_semaphore(%arg21 : memref<!tpu.dma_semaphore, #tpu.memory_space<semaphore_mem>>)
    %dma_wait3A_82 = arith.constant 0 : i32
    %dma_wait3A_83 = arith.constant 0 : i32
    %dma_wait3A_84 = tpu.memref_slice %arg5[%dma_wait3A_82, %dma_wait3A_83] : memref<50x128xi32, #tpu.memory_space<vmem>> -> memref<1x128xi32, #tpu.memory_space<vmem>>
    %dma_wait3A_85 = tpu.memref_squeeze %dma_wait3A_84 : memref<1x128xi32, #tpu.memory_space<vmem>> -> memref<128xi32, #tpu.memory_space<vmem>>
    %dma_wait3A_86 = arith.constant 0 : i32
    %dma_wait3A_87 = arith.constant 0 : i32
    %dma_wait3A_88 = tpu.memref_slice %arg3[%dma_wait3A_86, %dma_wait3A_87] : memref<100001x128xf32, #tpu.memory_space<hbm>> -> memref<100001x128xf32, #tpu.memory_space<hbm>>
    tpu.wait_indirect_dma semaphore(%arg15 : memref<!tpu.dma_semaphore, #tpu.memory_space<semaphore_mem>>) src(%dma_wait3A_88 : memref<100001x128xf32, #tpu.memory_space<hbm>>) dst(%arg8 : memref<128x128xf32, #tpu.memory_space<vmem>>)
    %dma_start3A_89 = arith.constant 44 : i32
    %dma_start3A_90 = arith.constant 0 : i32
    %dma_start3A_91 = tpu.memref_slice %arg4[%dma_start3A_89, %mul3A_2, %dma_start3A_90] : memref<50x4096x128xf32, #tpu.memory_space<hbm>> -> memref<1x128x128xf32, #tpu.memory_space<hbm>>
    %dma_start3A_92 = tpu.memref_squeeze %dma_start3A_91 : memref<1x128x128xf32, #tpu.memory_space<hbm>> -> memref<128x128xf32, #tpu.memory_space<hbm>>
    %dma_start3A_93 = arith.constant 0 : i32
    %dma_start3A_94 = tpu.memref_slice %arg4[%dma_start3A_89, %mul3A_2, %dma_start3A_93] : memref<50x4096x128xf32, #tpu.memory_space<hbm>> -> memref<1x128x128xf32, #tpu.memory_space<hbm>>
    %dma_start3A_95 = tpu.memref_squeeze %dma_start3A_94 : memref<1x128x128xf32, #tpu.memory_space<hbm>> -> memref<128x128xf32, #tpu.memory_space<hbm>>
    tpu.enqueue_dma source(%arg8 : memref<128x128xf32, #tpu.memory_space<vmem>>) target(%dma_start3A_95 : memref<128x128xf32, #tpu.memory_space<hbm>>) target_semaphore(%arg22 : memref<!tpu.dma_semaphore, #tpu.memory_space<semaphore_mem>>)
    %dma_wait3A_96 = arith.constant 0 : i32
    %dma_wait3A_97 = arith.constant 0 : i32
    %dma_wait3A_98 = tpu.memref_slice %arg5[%dma_wait3A_96, %dma_wait3A_97] : memref<50x128xi32, #tpu.memory_space<vmem>> -> memref<1x128xi32, #tpu.memory_space<vmem>>
    %dma_wait3A_99 = tpu.memref_squeeze %dma_wait3A_98 : memref<1x128xi32, #tpu.memory_space<vmem>> -> memref<128xi32, #tpu.memory_space<vmem>>
    %dma_wait3A_100 = arith.constant 0 : i32
    %dma_wait3A_101 = arith.constant 0 : i32
    %dma_wait3A_102 = tpu.memref_slice %arg3[%dma_wait3A_100, %dma_wait3A_101] : memref<100001x128xf32, #tpu.memory_space<hbm>> -> memref<100001x128xf32, #tpu.memory_space<hbm>>
    tpu.wait_indirect_dma semaphore(%arg16 : memref<!tpu.dma_semaphore, #tpu.memory_space<semaphore_mem>>) src(%dma_wait3A_102 : memref<100001x128xf32, #tpu.memory_space<hbm>>) dst(%arg9 : memref<128x128xf32, #tpu.memory_space<vmem>>)
    %dma_start3A_103 = arith.constant 45 : i32
    %dma_start3A_104 = arith.constant 0 : i32
    %dma_start3A_105 = tpu.memref_slice %arg4[%dma_start3A_103, %mul3A_2, %dma_start3A_104] : memref<50x4096x128xf32, #tpu.memory_space<hbm>> -> memref<1x128x128xf32, #tpu.memory_space<hbm>>
    %dma_start3A_106 = tpu.memref_squeeze %dma_start3A_105 : memref<1x128x128xf32, #tpu.memory_space<hbm>> -> memref<128x128xf32, #tpu.memory_space<hbm>>
    %dma_start3A_107 = arith.constant 0 : i32
    %dma_start3A_108 = tpu.memref_slice %arg4[%dma_start3A_103, %mul3A_2, %dma_start3A_107] : memref<50x4096x128xf32, #tpu.memory_space<hbm>> -> memref<1x128x128xf32, #tpu.memory_space<hbm>>
    %dma_start3A_109 = tpu.memref_squeeze %dma_start3A_108 : memref<1x128x128xf32, #tpu.memory_space<hbm>> -> memref<128x128xf32, #tpu.memory_space<hbm>>
    tpu.enqueue_dma source(%arg9 : memref<128x128xf32, #tpu.memory_space<vmem>>) target(%dma_start3A_109 : memref<128x128xf32, #tpu.memory_space<hbm>>) target_semaphore(%arg23 : memref<!tpu.dma_semaphore, #tpu.memory_space<semaphore_mem>>)
    %dma_wait3A_110 = arith.constant 0 : i32
    %dma_wait3A_111 = arith.constant 0 : i32
    %dma_wait3A_112 = tpu.memref_slice %arg5[%dma_wait3A_110, %dma_wait3A_111] : memref<50x128xi32, #tpu.memory_space<vmem>> -> memref<1x128xi32, #tpu.memory_space<vmem>>
    %dma_wait3A_113 = tpu.memref_squeeze %dma_wait3A_112 : memref<1x128xi32, #tpu.memory_space<vmem>> -> memref<128xi32, #tpu.memory_space<vmem>>
    %dma_wait3A_114 = arith.constant 0 : i32
    %dma_wait3A_115 = arith.constant 0 : i32
    %dma_wait3A_116 = tpu.memref_slice %arg3[%dma_wait3A_114, %dma_wait3A_115] : memref<100001x128xf32, #tpu.memory_space<hbm>> -> memref<100001x128xf32, #tpu.memory_space<hbm>>
    tpu.wait_indirect_dma semaphore(%arg17 : memref<!tpu.dma_semaphore, #tpu.memory_space<semaphore_mem>>) src(%dma_wait3A_116 : memref<100001x128xf32, #tpu.memory_space<hbm>>) dst(%arg10 : memref<128x128xf32, #tpu.memory_space<vmem>>)
    %dma_start3A_117 = arith.constant 46 : i32
    %dma_start3A_118 = arith.constant 0 : i32
    %dma_start3A_119 = tpu.memref_slice %arg4[%dma_start3A_117, %mul3A_2, %dma_start3A_118] : memref<50x4096x128xf32, #tpu.memory_space<hbm>> -> memref<1x128x128xf32, #tpu.memory_space<hbm>>
    %dma_start3A_120 = tpu.memref_squeeze %dma_start3A_119 : memref<1x128x128xf32, #tpu.memory_space<hbm>> -> memref<128x128xf32, #tpu.memory_space<hbm>>
    %dma_start3A_121 = arith.constant 0 : i32
    %dma_start3A_122 = tpu.memref_slice %arg4[%dma_start3A_117, %mul3A_2, %dma_start3A_121] : memref<50x4096x128xf32, #tpu.memory_space<hbm>> -> memref<1x128x128xf32, #tpu.memory_space<hbm>>
    %dma_start3A_123 = tpu.memref_squeeze %dma_start3A_122 : memref<1x128x128xf32, #tpu.memory_space<hbm>> -> memref<128x128xf32, #tpu.memory_space<hbm>>
    tpu.enqueue_dma source(%arg10 : memref<128x128xf32, #tpu.memory_space<vmem>>) target(%dma_start3A_123 : memref<128x128xf32, #tpu.memory_space<hbm>>) target_semaphore(%arg24 : memref<!tpu.dma_semaphore, #tpu.memory_space<semaphore_mem>>)
    %dma_wait3A_124 = arith.constant 0 : i32
    %dma_wait3A_125 = arith.constant 0 : i32
    %dma_wait3A_126 = tpu.memref_slice %arg5[%dma_wait3A_124, %dma_wait3A_125] : memref<50x128xi32, #tpu.memory_space<vmem>> -> memref<1x128xi32, #tpu.memory_space<vmem>>
    %dma_wait3A_127 = tpu.memref_squeeze %dma_wait3A_126 : memref<1x128xi32, #tpu.memory_space<vmem>> -> memref<128xi32, #tpu.memory_space<vmem>>
    %dma_wait3A_128 = arith.constant 0 : i32
    %dma_wait3A_129 = arith.constant 0 : i32
    %dma_wait3A_130 = tpu.memref_slice %arg3[%dma_wait3A_128, %dma_wait3A_129] : memref<100001x128xf32, #tpu.memory_space<hbm>> -> memref<100001x128xf32, #tpu.memory_space<hbm>>
    tpu.wait_indirect_dma semaphore(%arg18 : memref<!tpu.dma_semaphore, #tpu.memory_space<semaphore_mem>>) src(%dma_wait3A_130 : memref<100001x128xf32, #tpu.memory_space<hbm>>) dst(%arg11 : memref<128x128xf32, #tpu.memory_space<vmem>>)
    %dma_start3A_131 = arith.constant 47 : i32
    %dma_start3A_132 = arith.constant 0 : i32
    %dma_start3A_133 = tpu.memref_slice %arg4[%dma_start3A_131, %mul3A_2, %dma_start3A_132] : memref<50x4096x128xf32, #tpu.memory_space<hbm>> -> memref<1x128x128xf32, #tpu.memory_space<hbm>>
    %dma_start3A_134 = tpu.memref_squeeze %dma_start3A_133 : memref<1x128x128xf32, #tpu.memory_space<hbm>> -> memref<128x128xf32, #tpu.memory_space<hbm>>
    %dma_start3A_135 = arith.constant 0 : i32
    %dma_start3A_136 = tpu.memref_slice %arg4[%dma_start3A_131, %mul3A_2, %dma_start3A_135] : memref<50x4096x128xf32, #tpu.memory_space<hbm>> -> memref<1x128x128xf32, #tpu.memory_space<hbm>>
    %dma_start3A_137 = tpu.memref_squeeze %dma_start3A_136 : memref<1x128x128xf32, #tpu.memory_space<hbm>> -> memref<128x128xf32, #tpu.memory_space<hbm>>
    tpu.enqueue_dma source(%arg11 : memref<128x128xf32, #tpu.memory_space<vmem>>) target(%dma_start3A_137 : memref<128x128xf32, #tpu.memory_space<hbm>>) target_semaphore(%arg25 : memref<!tpu.dma_semaphore, #tpu.memory_space<semaphore_mem>>)
    %dma_wait3A_138 = arith.constant 0 : i32
    %dma_wait3A_139 = arith.constant 0 : i32
    %dma_wait3A_140 = tpu.memref_slice %arg5[%dma_wait3A_138, %dma_wait3A_139] : memref<50x128xi32, #tpu.memory_space<vmem>> -> memref<1x128xi32, #tpu.memory_space<vmem>>
    %dma_wait3A_141 = tpu.memref_squeeze %dma_wait3A_140 : memref<1x128xi32, #tpu.memory_space<vmem>> -> memref<128xi32, #tpu.memory_space<vmem>>
    %dma_wait3A_142 = arith.constant 0 : i32
    %dma_wait3A_143 = arith.constant 0 : i32
    %dma_wait3A_144 = tpu.memref_slice %arg3[%dma_wait3A_142, %dma_wait3A_143] : memref<100001x128xf32, #tpu.memory_space<hbm>> -> memref<100001x128xf32, #tpu.memory_space<hbm>>
    tpu.wait_indirect_dma semaphore(%arg19 : memref<!tpu.dma_semaphore, #tpu.memory_space<semaphore_mem>>) src(%dma_wait3A_144 : memref<100001x128xf32, #tpu.memory_space<hbm>>) dst(%arg12 : memref<128x128xf32, #tpu.memory_space<vmem>>)
    %dma_start3A_145 = arith.constant 48 : i32
    %dma_start3A_146 = arith.constant 0 : i32
    %dma_start3A_147 = tpu.memref_slice %arg4[%dma_start3A_145, %mul3A_2, %dma_start3A_146] : memref<50x4096x128xf32, #tpu.memory_space<hbm>> -> memref<1x128x128xf32, #tpu.memory_space<hbm>>
    %dma_start3A_148 = tpu.memref_squeeze %dma_start3A_147 : memref<1x128x128xf32, #tpu.memory_space<hbm>> -> memref<128x128xf32, #tpu.memory_space<hbm>>
    %dma_start3A_149 = arith.constant 0 : i32
    %dma_start3A_150 = tpu.memref_slice %arg4[%dma_start3A_145, %mul3A_2, %dma_start3A_149] : memref<50x4096x128xf32, #tpu.memory_space<hbm>> -> memref<1x128x128xf32, #tpu.memory_space<hbm>>
    %dma_start3A_151 = tpu.memref_squeeze %dma_start3A_150 : memref<1x128x128xf32, #tpu.memory_space<hbm>> -> memref<128x128xf32, #tpu.memory_space<hbm>>
    tpu.enqueue_dma source(%arg12 : memref<128x128xf32, #tpu.memory_space<vmem>>) target(%dma_start3A_151 : memref<128x128xf32, #tpu.memory_space<hbm>>) target_semaphore(%arg26 : memref<!tpu.dma_semaphore, #tpu.memory_space<semaphore_mem>>)
    %dma_wait3A_152 = arith.constant 0 : i32
    %dma_wait3A_153 = arith.constant 0 : i32
    %dma_wait3A_154 = tpu.memref_slice %arg4[%dma_wait3A_152, %mul3A_2, %dma_wait3A_153] : memref<50x4096x128xf32, #tpu.memory_space<hbm>> -> memref<1x128x128xf32, #tpu.memory_space<hbm>>
    %dma_wait3A_155 = tpu.memref_squeeze %dma_wait3A_154 : memref<1x128x128xf32, #tpu.memory_space<hbm>> -> memref<128x128xf32, #tpu.memory_space<hbm>>
    %dma_wait3A_156 = arith.constant 0 : i32
    %dma_wait3A_157 = tpu.memref_slice %arg4[%dma_wait3A_152, %mul3A_2, %dma_wait3A_156] : memref<50x4096x128xf32, #tpu.memory_space<hbm>> -> memref<1x128x128xf32, #tpu.memory_space<hbm>>
    %dma_wait3A_158 = tpu.memref_squeeze %dma_wait3A_157 : memref<1x128x128xf32, #tpu.memory_space<hbm>> -> memref<128x128xf32, #tpu.memory_space<hbm>>
    tpu.wait_dma2 semaphore(%arg20 : memref<!tpu.dma_semaphore, #tpu.memory_space<semaphore_mem>>) src(%arg6 : memref<128x128xf32, #tpu.memory_space<vmem>>) dst(%dma_wait3A_158 : memref<128x128xf32, #tpu.memory_space<hbm>>)
    %dma_start3A_159 = arith.constant 49 : i32
    %dma_start3A_160 = arith.constant 0 : i32
    %dma_start3A_161 = tpu.memref_slice %arg5[%dma_start3A_159, %dma_start3A_160] : memref<50x128xi32, #tpu.memory_space<vmem>> -> memref<1x128xi32, #tpu.memory_space<vmem>>
    %dma_start3A_162 = tpu.memref_squeeze %dma_start3A_161 : memref<1x128xi32, #tpu.memory_space<vmem>> -> memref<128xi32, #tpu.memory_space<vmem>>
    %dma_start3A_163 = arith.constant 0 : i32
    %dma_start3A_164 = arith.constant 0 : i32
    %dma_start3A_165 = tpu.memref_slice %arg3[%dma_start3A_163, %dma_start3A_164] : memref<100001x128xf32, #tpu.memory_space<hbm>> -> memref<100001x128xf32, #tpu.memory_space<hbm>>
    tpu.enqueue_indirect_dma source(%dma_start3A_165 : memref<100001x128xf32, #tpu.memory_space<hbm>>) target(%arg6 : memref<128x128xf32, #tpu.memory_space<vmem>>) offsets(%dma_start3A_162 : memref<128xi32, #tpu.memory_space<vmem>>) semaphore(%arg13 : memref<!tpu.dma_semaphore, #tpu.memory_space<semaphore_mem>>)
    %dma_wait3A_166 = arith.constant 0 : i32
    %dma_wait3A_167 = arith.constant 0 : i32
    %dma_wait3A_168 = tpu.memref_slice %arg5[%dma_wait3A_166, %dma_wait3A_167] : memref<50x128xi32, #tpu.memory_space<vmem>> -> memref<1x128xi32, #tpu.memory_space<vmem>>
    %dma_wait3A_169 = tpu.memref_squeeze %dma_wait3A_168 : memref<1x128xi32, #tpu.memory_space<vmem>> -> memref<128xi32, #tpu.memory_space<vmem>>
    %dma_wait3A_170 = arith.constant 0 : i32
    %dma_wait3A_171 = arith.constant 0 : i32
    %dma_wait3A_172 = tpu.memref_slice %arg3[%dma_wait3A_170, %dma_wait3A_171] : memref<100001x128xf32, #tpu.memory_space<hbm>> -> memref<100001x128xf32, #tpu.memory_space<hbm>>
    tpu.wait_indirect_dma semaphore(%arg13 : memref<!tpu.dma_semaphore, #tpu.memory_space<semaphore_mem>>) src(%dma_wait3A_172 : memref<100001x128xf32, #tpu.memory_space<hbm>>) dst(%arg6 : memref<128x128xf32, #tpu.memory_space<vmem>>)
    %dma_start3A_173 = arith.constant 49 : i32
    %dma_start3A_174 = arith.constant 0 : i32
    %dma_start3A_175 = tpu.memref_slice %arg4[%dma_start3A_173, %mul3A_2, %dma_start3A_174] : memref<50x4096x128xf32, #tpu.memory_space<hbm>> -> memref<1x128x128xf32, #tpu.memory_space<hbm>>
    %dma_start3A_176 = tpu.memref_squeeze %dma_start3A_175 : memref<1x128x128xf32, #tpu.memory_space<hbm>> -> memref<128x128xf32, #tpu.memory_space<hbm>>
    %dma_start3A_177 = arith.constant 0 : i32
    %dma_start3A_178 = tpu.memref_slice %arg4[%dma_start3A_173, %mul3A_2, %dma_start3A_177] : memref<50x4096x128xf32, #tpu.memory_space<hbm>> -> memref<1x128x128xf32, #tpu.memory_space<hbm>>
    %dma_start3A_179 = tpu.memref_squeeze %dma_start3A_178 : memref<1x128x128xf32, #tpu.memory_space<hbm>> -> memref<128x128xf32, #tpu.memory_space<hbm>>
    tpu.enqueue_dma source(%arg6 : memref<128x128xf32, #tpu.memory_space<vmem>>) target(%dma_start3A_179 : memref<128x128xf32, #tpu.memory_space<hbm>>) target_semaphore(%arg20 : memref<!tpu.dma_semaphore, #tpu.memory_space<semaphore_mem>>)
    %dma_wait3A_180 = arith.constant 0 : i32
    %dma_wait3A_181 = arith.constant 0 : i32
    %dma_wait3A_182 = tpu.memref_slice %arg4[%dma_wait3A_180, %mul3A_2, %dma_wait3A_181] : memref<50x4096x128xf32, #tpu.memory_space<hbm>> -> memref<1x128x128xf32, #tpu.memory_space<hbm>>
    %dma_wait3A_183 = tpu.memref_squeeze %dma_wait3A_182 : memref<1x128x128xf32, #tpu.memory_space<hbm>> -> memref<128x128xf32, #tpu.memory_space<hbm>>
    %dma_wait3A_184 = arith.constant 0 : i32
    %dma_wait3A_185 = tpu.memref_slice %arg4[%dma_wait3A_180, %mul3A_2, %dma_wait3A_184] : memref<50x4096x128xf32, #tpu.memory_space<hbm>> -> memref<1x128x128xf32, #tpu.memory_space<hbm>>
    %dma_wait3A_186 = tpu.memref_squeeze %dma_wait3A_185 : memref<1x128x128xf32, #tpu.memory_space<hbm>> -> memref<128x128xf32, #tpu.memory_space<hbm>>
    tpu.wait_dma2 semaphore(%arg20 : memref<!tpu.dma_semaphore, #tpu.memory_space<semaphore_mem>>) src(%arg6 : memref<128x128xf32, #tpu.memory_space<vmem>>) dst(%dma_wait3A_186 : memref<128x128xf32, #tpu.memory_space<hbm>>)
    %dma_wait3A_187 = arith.constant 0 : i32
    %dma_wait3A_188 = arith.constant 0 : i32
    %dma_wait3A_189 = tpu.memref_slice %arg4[%dma_wait3A_187, %mul3A_2, %dma_wait3A_188] : memref<50x4096x128xf32, #tpu.memory_space<hbm>> -> memref<1x128x128xf32, #tpu.memory_space<hbm>>
    %dma_wait3A_190 = tpu.memref_squeeze %dma_wait3A_189 : memref<1x128x128xf32, #tpu.memory_space<hbm>> -> memref<128x128xf32, #tpu.memory_space<hbm>>
    %dma_wait3A_191 = arith.constant 0 : i32
    %dma_wait3A_192 = tpu.memref_slice %arg4[%dma_wait3A_187, %mul3A_2, %dma_wait3A_191] : memref<50x4096x128xf32, #tpu.memory_space<hbm>> -> memref<1x128x128xf32, #tpu.memory_space<hbm>>
    %dma_wait3A_193 = tpu.memref_squeeze %dma_wait3A_192 : memref<1x128x128xf32, #tpu.memory_space<hbm>> -> memref<128x128xf32, #tpu.memory_space<hbm>>
    tpu.wait_dma2 semaphore(%arg21 : memref<!tpu.dma_semaphore, #tpu.memory_space<semaphore_mem>>) src(%arg7 : memref<128x128xf32, #tpu.memory_space<vmem>>) dst(%dma_wait3A_193 : memref<128x128xf32, #tpu.memory_space<hbm>>)
    %dma_wait3A_194 = arith.constant 0 : i32
    %dma_wait3A_195 = arith.constant 0 : i32
    %dma_wait3A_196 = tpu.memref_slice %arg4[%dma_wait3A_194, %mul3A_2, %dma_wait3A_195] : memref<50x4096x128xf32, #tpu.memory_space<hbm>> -> memref<1x128x128xf32, #tpu.memory_space<hbm>>
    %dma_wait3A_197 = tpu.memref_squeeze %dma_wait3A_196 : memref<1x128x128xf32, #tpu.memory_space<hbm>> -> memref<128x128xf32, #tpu.memory_space<hbm>>
    %dma_wait3A_198 = arith.constant 0 : i32
    %dma_wait3A_199 = tpu.memref_slice %arg4[%dma_wait3A_194, %mul3A_2, %dma_wait3A_198] : memref<50x4096x128xf32, #tpu.memory_space<hbm>> -> memref<1x128x128xf32, #tpu.memory_space<hbm>>
    %dma_wait3A_200 = tpu.memref_squeeze %dma_wait3A_199 : memref<1x128x128xf32, #tpu.memory_space<hbm>> -> memref<128x128xf32, #tpu.memory_space<hbm>>
    tpu.wait_dma2 semaphore(%arg22 : memref<!tpu.dma_semaphore, #tpu.memory_space<semaphore_mem>>) src(%arg8 : memref<128x128xf32, #tpu.memory_space<vmem>>) dst(%dma_wait3A_200 : memref<128x128xf32, #tpu.memory_space<hbm>>)
    %dma_wait3A_201 = arith.constant 0 : i32
    %dma_wait3A_202 = arith.constant 0 : i32
    %dma_wait3A_203 = tpu.memref_slice %arg4[%dma_wait3A_201, %mul3A_2, %dma_wait3A_202] : memref<50x4096x128xf32, #tpu.memory_space<hbm>> -> memref<1x128x128xf32, #tpu.memory_space<hbm>>
    %dma_wait3A_204 = tpu.memref_squeeze %dma_wait3A_203 : memref<1x128x128xf32, #tpu.memory_space<hbm>> -> memref<128x128xf32, #tpu.memory_space<hbm>>
    %dma_wait3A_205 = arith.constant 0 : i32
    %dma_wait3A_206 = tpu.memref_slice %arg4[%dma_wait3A_201, %mul3A_2, %dma_wait3A_205] : memref<50x4096x128xf32, #tpu.memory_space<hbm>> -> memref<1x128x128xf32, #tpu.memory_space<hbm>>
    %dma_wait3A_207 = tpu.memref_squeeze %dma_wait3A_206 : memref<1x128x128xf32, #tpu.memory_space<hbm>> -> memref<128x128xf32, #tpu.memory_space<hbm>>
    tpu.wait_dma2 semaphore(%arg23 : memref<!tpu.dma_semaphore, #tpu.memory_space<semaphore_mem>>) src(%arg9 : memref<128x128xf32, #tpu.memory_space<vmem>>) dst(%dma_wait3A_207 : memref<128x128xf32, #tpu.memory_space<hbm>>)
    %dma_wait3A_208 = arith.constant 0 : i32
    %dma_wait3A_209 = arith.constant 0 : i32
    %dma_wait3A_210 = tpu.memref_slice %arg4[%dma_wait3A_208, %mul3A_2, %dma_wait3A_209] : memref<50x4096x128xf32, #tpu.memory_space<hbm>> -> memref<1x128x128xf32, #tpu.memory_space<hbm>>
    %dma_wait3A_211 = tpu.memref_squeeze %dma_wait3A_210 : memref<1x128x128xf32, #tpu.memory_space<hbm>> -> memref<128x128xf32, #tpu.memory_space<hbm>>
    %dma_wait3A_212 = arith.constant 0 : i32
    %dma_wait3A_213 = tpu.memref_slice %arg4[%dma_wait3A_208, %mul3A_2, %dma_wait3A_212] : memref<50x4096x128xf32, #tpu.memory_space<hbm>> -> memref<1x128x128xf32, #tpu.memory_space<hbm>>
    %dma_wait3A_214 = tpu.memref_squeeze %dma_wait3A_213 : memref<1x128x128xf32, #tpu.memory_space<hbm>> -> memref<128x128xf32, #tpu.memory_space<hbm>>
    tpu.wait_dma2 semaphore(%arg24 : memref<!tpu.dma_semaphore, #tpu.memory_space<semaphore_mem>>) src(%arg10 : memref<128x128xf32, #tpu.memory_space<vmem>>) dst(%dma_wait3A_214 : memref<128x128xf32, #tpu.memory_space<hbm>>)
    %dma_wait3A_215 = arith.constant 0 : i32
    %dma_wait3A_216 = arith.constant 0 : i32
    %dma_wait3A_217 = tpu.memref_slice %arg4[%dma_wait3A_215, %mul3A_2, %dma_wait3A_216] : memref<50x4096x128xf32, #tpu.memory_space<hbm>> -> memref<1x128x128xf32, #tpu.memory_space<hbm>>
    %dma_wait3A_218 = tpu.memref_squeeze %dma_wait3A_217 : memref<1x128x128xf32, #tpu.memory_space<hbm>> -> memref<128x128xf32, #tpu.memory_space<hbm>>
    %dma_wait3A_219 = arith.constant 0 : i32
    %dma_wait3A_220 = tpu.memref_slice %arg4[%dma_wait3A_215, %mul3A_2, %dma_wait3A_219] : memref<50x4096x128xf32, #tpu.memory_space<hbm>> -> memref<1x128x128xf32, #tpu.memory_space<hbm>>
    %dma_wait3A_221 = tpu.memref_squeeze %dma_wait3A_220 : memref<1x128x128xf32, #tpu.memory_space<hbm>> -> memref<128x128xf32, #tpu.memory_space<hbm>>
    tpu.wait_dma2 semaphore(%arg25 : memref<!tpu.dma_semaphore, #tpu.memory_space<semaphore_mem>>) src(%arg11 : memref<128x128xf32, #tpu.memory_space<vmem>>) dst(%dma_wait3A_221 : memref<128x128xf32, #tpu.memory_space<hbm>>)
    %dma_wait3A_222 = arith.constant 0 : i32
    %dma_wait3A_223 = arith.constant 0 : i32
    %dma_wait3A_224 = tpu.memref_slice %arg4[%dma_wait3A_222, %mul3A_2, %dma_wait3A_223] : memref<50x4096x128xf32, #tpu.memory_space<hbm>> -> memref<1x128x128xf32, #tpu.memory_space<hbm>>
    %dma_wait3A_225 = tpu.memref_squeeze %dma_wait3A_224 : memref<1x128x128xf32, #tpu.memory_space<hbm>> -> memref<128x128xf32, #tpu.memory_space<hbm>>
    %dma_wait3A_226 = arith.constant 0 : i32
    %dma_wait3A_227 = tpu.memref_slice %arg4[%dma_wait3A_222, %mul3A_2, %dma_wait3A_226] : memref<50x4096x128xf32, #tpu.memory_space<hbm>> -> memref<1x128x128xf32, #tpu.memory_space<hbm>>
    %dma_wait3A_228 = tpu.memref_squeeze %dma_wait3A_227 : memref<1x128x128xf32, #tpu.memory_space<hbm>> -> memref<128x128xf32, #tpu.memory_space<hbm>>
    tpu.wait_dma2 semaphore(%arg26 : memref<!tpu.dma_semaphore, #tpu.memory_space<semaphore_mem>>) src(%arg12 : memref<128x128xf32, #tpu.memory_space<vmem>>) dst(%dma_wait3A_228 : memref<128x128xf32, #tpu.memory_space<hbm>>)
    return
  }
}

</mosaic_0001>

<sc_bundles>
// kernel: _emb.3.cloned.1.call-start
scs
__scs_entry_jumppad:
0x0: {  	(pc) =	sbr.rel $0x88, $3  }
0x1: {  	(tag) =	ssettag $0x0;
	lr =	simm.s32 $0x1  }
0x2: {  	[smem:$0x3F9F] =	sst lr;
	_ =	strace $0xD0000000  }
0x3: {  	_ = 	snop  }
0x4: {  	_ = 	snop  }
0x5: {  	_ = 	snop  }
0x6: {  	_ = 	snop  }
0x7: {  	_ = 	snop  }
__scs_overlays_trampoline_lowered:
0x8: {  	[smem:$0x3FAE] =	sst s0  }
0x9: {  	[smem:$0x3FAF] =	sst s1  }
0xa: {  	[smem:$0x3FB0] =	sst s2  }
0xb: {  	[smem:$0x3FB1] =	sst s3  }
0xc: {  	[smem:$0x3FB2] =	sst s4  }
0xd: {  	[smem:$0x3FB3] =	sst s5  }
0xe: {  	[smem:$0x3FB4] =	sst s6  }
0xf: {  	[smem:$0x3FB5] =	sst s7  }
0x10: {  	[smem:$0x3FB6] =	sst s8  }
0x11: {  	[smem:$0x3FB7] =	sst s9;
	s0 =	simm.s32 @!p0 $0x0  }
0x12: {  	s1 =	sld [smem:$0x3F9D];
	s0 =	simm.s32 @p0 $0x1  }
0x13: {  	[smem:$0x3FB8] =	sst s0;
	s0 =	simm.s32 @!p1 $0x0  }
0x14: {  	s2 =	sld [smem:$0x3F9C];
	s0 =	simm.s32 @p1 $0x1  }
0x15: {  	[smem:$0x3FB9] =	sst s0;
	s0 =	simm.s32 @!p2 $0x0  }
0x16: {  	s3 =	sld [smem:$0x3FDB];
	s0 =	simm.s32 @p2 $0x1  }
0x17: {  	s4 =	simm.s32 $0x1BF5;
	[smem:$0x3FBB] =	sst s0  }
0x18: {  	s0 =	sld [smem:$0x3F9E];
	_ =	swait.ge [sflag:s4], $0x0  }
0x19: {  	s7 =	sld [smem:$0x3F9F]  }
0x1a: {  	s8 =	sadd.s32 $0xFFFFE003, lr  }
0x1b: {  	s9 =	sadd.s32 $0xFFFFFEF7, lr;
	s5 =	simm.s32 $0xFFFFFFFF;
	p2 =	slt.u32 s8, $0xFFFFF086  }
0x1c: {  	p1 =	slt.u32 s9, $0xF7A;
	s5 =	simm.s32 @!p2 $0x0  }
0x1d: {  	s5 =	simm.s32 @p1 $0x1;
	p0 =	seq.s32 s7, s2  }
0x1e: {  	s7 =	smul.u32 @!p0 $0xF7A, s2;
	p2 =	seq.s32 @!p0 s5, $0x0  }
0x1f: {  	s9 =	smul.u32 $0xF7A, s1;
	s8 =	simm.s32 @!p0 $0x1BF5;
	p2 =	por !p2, p0  }
0x20: {  	[sflag:s8] =	ssyncset.s32 @!p0 $0xFFFFF086;
	s6 =	sadd.s32 @!p0 s3, s7;
	s7 =	simm.s32 @!p0 $0x108  }
0x21: {  	s3 =	sadd.s32 s3, s9;
	s6 =	sadd.s32 @!p0 $0x88, s6;
	s7 =	simm.s32 @p2 $0x1082  }
0x22: {  	[simem:s7], [sflag:s8] =	dma.local @!p0 [hbm:s6], $0xF7A  }
0x23: {  	s9 =	sor.u32 $0xD0000000, s2;
	s6 =	simm.s32 $0x108;
	_ =	swait.ge @!p0 [sflag:s8], $0x0  }
0x24: {  	s3 =	sadd.s32 $0x88, s3;
	s6 =	simm.s32 @!p1 $0x1082;
	[sflag:s4] =	ssyncset.s32 $0xFFFFF086  }
0x25: {  	[simem:s6], [sflag:s4] =	dma.local [hbm:s3], $0xF7A  }
0x26: {  	[smem:$0x3F9F] =	sst s1;
	(tag) =	ssettag s2;
	_ =	strace s9  }
0x27: {  	s1 =	sld [smem:$0x3FAF]  }
0x28: {  	s2 =	sld [smem:$0x3FB0]  }
0x29: {  	s4 =	sld [smem:$0x3FB2]  }
0x2a: {  	p0 =	seq.s32 s5, $0x0;
	s5 =	sld [smem:$0x3FB3]  }
0x2b: {  	s6 =	sld [smem:$0x3FB4]  }
0x2c: {  	s7 =	sld [smem:$0x3FB5]  }
0x2d: {  	s3 =	simm.s32 $0x108;
	s8 =	sld [smem:$0x3FB6]  }
0x2e: {  	s3 =	simm.s32 @!p0 $0x1082;
	s9 =	sld [smem:$0x3FB7]  }
0x2f: {  	lr =	sadd.s32 s0, s3;
	s0 =	sld [smem:$0x3FAE]  }
0x30: {  	s3 =	sld [smem:$0x3FB1]  }
0x31: {  	[smem:$0x3FBA] =	sst s10  }
0x32: {  	s10 =	sld [smem:$0x3FB8];
	_ =	sdelay $0x3  }
0x33: {  	p0 =	seq.s32 s10, $0x1;
	s10 =	sld [smem:$0x3FBA];
	_ =	sdelay $0x3  }
0x34: {  	[smem:$0x3FBA] =	sst s10  }
0x35: {  	s10 =	sld [smem:$0x3FB9];
	_ =	sdelay $0x3  }
0x36: {  	p1 =	seq.s32 s10, $0x1;
	s10 =	sld [smem:$0x3FBA];
	_ =	sdelay $0x3  }
0x37: {  	[smem:$0x3FBA] =	sst s10  }
0x38: {  	s10 =	sld [smem:$0x3FBB]  }
0x39: {  	_ = 	snop;
	(pc) =	sbr.ind lr, $3  }
0x3a: {  	_ = 	snop  }
0x3b: {  	_ = 	snop  }
0x3c: {  	p2 =	seq.s32 s10, $0x1;
	s10 =	sld [smem:$0x3FBA]  }
0x3d: {  	_ =	shalt  }
0x3e: {  	_ =	shalt  }
0x3f: {  	_ =	shalt  }
0x40: {  	_ =	shalt  }
0x41: {  	_ =	shalt  }
0x42: {  	_ =	shalt  }
0x43: {  	_ =	shalt  }
0x44: {  	_ =	shalt  }
0x45: {  	_ =	shalt  }
0x46: {  	_ =	shalt  }
0x47: {  	_ =	shalt  }
0x48: {  	_ =	shalt  }
0x49: {  	_ =	shalt  }
0x4a: {  	_ =	shalt  }
0x4b: {  	_ =	shalt  }
0x4c: {  	_ =	shalt  }
0x4d: {  	_ =	shalt  }
0x4e: {  	_ =	shalt  }
0x4f: {  	_ =	shalt  }
0x50: {  	_ =	shalt  }
0x51: {  	_ =	shalt  }
0x52: {  	_ =	shalt  }
0x53: {  	_ =	shalt  }
0x54: {  	_ =	shalt  }
0x55: {  	_ =	shalt  }
0x56: {  	_ =	shalt  }
0x57: {  	_ =	shalt  }
0x58: {  	_ =	shalt  }
0x59: {  	_ =	shalt  }
0x5a: {  	_ =	shalt  }
0x5b: {  	_ =	shalt  }
0x5c: {  	_ =	shalt  }
0x5d: {  	_ =	shalt  }
0x5e: {  	_ =	shalt  }
0x5f: {  	_ =	shalt  }
0x60: {  	_ =	shalt  }
0x61: {  	_ =	shalt  }
0x62: {  	_ =	shalt  }
0x63: {  	_ =	shalt  }
0x64: {  	_ =	shalt  }
0x65: {  	_ =	shalt  }
0x66: {  	_ =	shalt  }
0x67: {  	_ =	shalt  }
0x68: {  	_ =	shalt  }
0x69: {  	_ =	shalt  }
0x6a: {  	_ =	shalt  }
0x6b: {  	_ =	shalt  }
0x6c: {  	_ =	shalt  }
0x6d: {  	_ =	shalt  }
0x6e: {  	_ =	shalt  }
0x6f: {  	_ =	shalt  }
0x70: {  	_ =	shalt  }
0x71: {  	_ =	shalt  }
0x72: {  	_ =	shalt  }
0x73: {  	_ =	shalt  }
0x74: {  	_ =	shalt  }
0x75: {  	_ =	shalt  }
0x76: {  	_ =	shalt  }
0x77: {  	_ =	shalt  }
0x78: {  	_ =	shalt  }
0x79: {  	_ =	shalt  }
0x7a: {  	_ =	shalt  }
0x7b: {  	_ =	shalt  }
0x7c: {  	_ =	shalt  }
0x7d: {  	_ =	shalt  }
0x7e: {  	_ =	shalt  }
0x7f: {  	_ =	shalt  }
0x80: {  	_ =	shalt  }
0x81: {  	_ =	shalt  }
0x82: {  	_ =	shalt  }
0x83: {  	_ =	shalt  }
0x84: {  	_ =	shalt  }
0x85: {  	_ =	shalt  }
0x86: {  	_ =	shalt  }
0x87: {  	_ =	shalt  }
.Lfunc_end0:
.L_simem_size_0:
called_computation_lowered:
.L_overlay_start_0:
0x88: {  	s2 =	sld [smem:$0x3FD9]  }
0x89: {  	s3 =	sld [smem:$0x3FFE];
	_ =	sdelay $0x1  }
0x8a: {  	s1 =	srdreg.scid  }
0x8b: {  	s0 =	sand.u32 $0x1, s1  }
0x8c: {  	s17 =	sshll.u32 s0, $0xA;
	s2 =	sadd.s32 s3, s2  }
0x8d: {  	s2 =	sadd.s32 s2, s17  }
0x8e: {  	[smem:$0x3FC6] =	sst s2  }
0x8f: {  	_ = 	snop  }
0x90: {  	s2 =	sld [smem:$0x3FC8]  }
0x91: {  	s18 =	sld [smem:$0x3FD0];
	(tm) =	ssettm $0x1  }
0x92: {  	s4 =	sld [smem:$0x3FFB];
	_ =	sdelay $0x3  }
0x93: {  	_ =	strace s4  }
0x94: {  	s4 =	sld [smem:$0x3FFC];
	_ =	sdelay $0x3  }
0x95: {  	_ =	strace s4  }
0x96: {  	s4 =	sld [smem:$0x3FFD];
	_ =	sdelay $0x3  }
0x97: {  	_ =	strace s4  }
0x98: {  	_ =	strace $0x8FFFFFFF  }
0x99: {  	s19 =	sld [smem:$0x3FDB];
	_ =	sdelay $0x1  }
0x9a: {  	s5 =	simm.s32 $_scs_section_size  }
0x9b: {  	s6 =	simm.s32 $_size__tile_overlayer_lowered;
	s7 =	simm.s32 $_tile_overlayer_lowered  }
0x9c: {  	s22 =	simm.s32 $0x1BFF;
	s21 =	sshll.u32 s7, $0x1;
	s4 =	sadd.s32 s5, s19  }
0x9d: {  	s8 =	simm.s32 $0x0;
	s20 =	sshll.u32 s6, $0x1;
	s6 =	sadd.s32 s21, s4  }
0x9e: {  	[timem:s8], [sflag:s22] =	dma.local [hbm:s6], s20  }
0x9f: {  	_ =	swait.ge [sflag:s22], s20  }
0xa0: {  	s5 =	ssub.s32 $0x0, s20;
	[sflag:s22] =	ssyncset.done $0x0  }
0xa1: {  	[sflag:s22] =	ssyncadd.s32 s5;
	_ =	sdelay $0x1  }
0xa2: {  	s23 =	simm.s32 $0x1B8B  }
0xa3: {  	_ =	swait.ge [sflag:s23], $0x1  }
0xa4: {  	[sflag:s23] =	ssyncset.done $0x0  }
0xa5: {  	s25 =	simm.s32 $0x1B8E;
	s24 =	sld [smem:$0x3FFE];
	[sflag:s23] =	ssyncadd.s32 $0xFFFFFFFF  }
0xa6: {  	s26 =	simm.s32 $execute0_lowered;
	[smem:$0x3FD2] =	sst s25  }
0xa7: {  	s6 =	sshll.u32 s26, $0x1;
	_ =	strace $0x80000046;
	[dreg:$0x1] =	wrdreg $0xFFFFFFFF  }
0xa8: {  	s28 =	simm.s32 $_size_execute0_lowered;
	s4 =	sadd.s32 s4, s6;
	[dreg:$0x0] =	wrdreg $0x0  }
0xa9: {  	s6 =	sshll.u32 s28, $0x1;
	[dreg:$0x2] =	wrdreg s4  }
0xaa: {  	[dreg:$0x3] =	wrdreg s6  }
0xab: {  	[dreg:$0x4] =	wrdreg $0xC0  }
0xac: {  	_ =	task [dreg:s8], $0x5FFFF  }
0xad: {  	[dreg:$0x1] =	wrdreg $0xFFFFFFFF  }
0xae: {  	[dreg:$0x0] =	wrdreg $0x60  }
0xaf: {  	[dreg:$0x2] =	wrdreg s24  }
0xb0: {  	[dreg:$0x3] =	wrdreg s2  }
0xb1: {  	[dreg:$0x4] =	wrdreg s18  }
0xb2: {  	[dreg:$0x5] =	wrdreg $0x9  }
0xb3: {  	_ =	task.clear_ibuf [dreg:s8], $0x6FFFF;
	_ =	strace $0x90000046  }
0xb4: {  	s29 =	simm.s32 $0x9;
	_ =	strace $0x80000048  }
0xb5: {  	_ =	swait.ge [sflag:s29], $0x1  }
0xb6: {  	[sflag:s29] =	ssyncadd.s32 $0xFFFFFFFF  }
0xb7: {  	_ =	strace $0x90000048  }
0xb8: {  	_ =	sfence  }
0xb9: {  	s30 =	sld [smem:$0x0];
	_ =	sdelay $0x2  }
0xba: {  	s31 =	sshll.u32 s1, $0xD;
	s1 =	sshrl.u32 s1, $0x2  }
0xbb: {  	s3 =	sand.u32 $0x4000, s31;
	s1 =	sadd.s32 s1, s30  }
0xbc: {  	s0 =	sor.u32 s3, s0;
	s1 =	sshll.u32 s1, $0x11  }
0xbd: {  	s0 =	sor.u32 s1, s0  }
0xbe: {  	s0 =	sadd.s32 $0x8F2B, s0  }
0xbf: {  	[sflag:s0] =	ssyncadd.remote.s32 $0x1  }
0xc0: {  	_ =	sfence.sel $0xFFFF  }
0xc1: {  	[dreg:$0x0] =	wrdreg $0xFFFFFFFF;
	(pc) =	sbr.abs _section_cstart, $3  }
0xc2: {  	[dreg:$0x1] =	wrdreg $0xFFFFFFFF  }
0xc3: {  	_ =	task.clear_ibuf [dreg:s8], $0x2FFFF;
	_ =	strace $0x9FFFFFFF  }
0xc4: {  	(tm) =	ssettm $0x7FFFFFFF  }
0xc5: {  	_ =	shalt  }
tec
execute0_lowered:
.L_overlay_start_1:
0x0: {  	(tag) =	ssettag $0x1  }
0x1: {  	s0 =	rddreg [dreg:$0x0];
	s1 =	srdreg.scid  }
0x2: {  	s8 =	stileid.u32;
	s2 =	rddreg [dreg:$0x1]  }
0x3: {  	s3 =	rddreg [dreg:$0x2];
	s29 =	simm.s32 $0x19C00;
	s30 =	simm.s32 $0x1  }
0x4: {  	s31 =	simm.s32 $0x2;
	s1 =	sand.u32 $0x1, s1;
	s4 =	sshll.u32 s8, $0x1  }
0x5: {  	s28 =	simm.s32 $0x9;
	s26 =	sshll.u32 s8, $0xF;
	s5 =	sor.u32 s1, s4  }
0x6: {  	s4 =	simm.s32 $0x0;
	s7 =	ssub.s32 $0x2, s1;
	s1 =	sshll.u32 s1, $0xE  }
0x7: {  	s6 =	smul.u32 $0x380, s5;
	[smem:$0x7FF] =	sst s4;
	s1 =	sor.u32 s1, s26  }
0x8: {  	s24 =	sshrl.u32 s7, $0x1;
	s25 =	sshll.u32 s5, $0xB;
	s12 =	sor.u32 $0x300000, s1  }
0x9: {  	s14 =	sor.u32 $0x280000, s1;
	s16 =	sor.u32 $0x200000, s1;
	s18 =	sor.u32 $0x180000, s1  }
0xa: {  	s20 =	sor.u32 $0x100000, s1;
	s22 =	sor.u32 $0x80000, s1;
	s1 =	sshrl.u32 s1, $0x3  }
0xb: {  	_ =	strace $0x80000047;
	s5 =	sshrl.u32 s12, $0x3;
	[dreg:$0xa] =	wrdreg s1  }
0xc: {  	s0 =	sadd.s32 s6, s0;
	s15 =	sshrl.u32 s14, $0x3;
	[dreg:$0x4] =	wrdreg s5  }
0xd: {  	s6 =	ssub.s32 s7, s24;
	s17 =	sshrl.u32 s16, $0x3;
	[dreg:$0x5] =	wrdreg s15  }
0xe: {  	s19 =	sshrl.u32 s18, $0x3;
	s21 =	sshrl.u32 s20, $0x3;
	[dreg:$0x6] =	wrdreg s17  }
0xf: {  	s24 =	sshrl.u32 s22, $0x3;
	s16 =	simm.s32 $0x80;
	[dreg:$0x7] =	wrdreg s19  }
0x10: {  	s18 =	simm.s32 $0x5C00;
	s20 =	simm.s32 $0x9C00;
	[dreg:$0x8] =	wrdreg s21  }
0x11: {  	s22 =	simm.s32 $0xDC00;
	s0 =	sadd.s32 $0x400, s0;
	[dreg:$0x9] =	wrdreg s24  }
0x12: {  	s26 =	smax.u32 s6, $0x1;
	[dreg:$0xb] =	wrdreg s0;
	s0 =	sadd.s32 s25, s3  }
0x13: {  	s1 =	simm.s32 $0x3;
	[dreg:$0x14] =	wrdreg s26;
	s8 =	sadd.s32 $0x2A0000, s0  }
0x14: {  	s7 =	simm.s32 $0xC;
	s9 =	sadd.s32 $0x2B0000, s0;
	[dreg:$0xc] =	wrdreg s8  }
0x15: {  	s15 =	simm.s32 $0xF;
	s10 =	sadd.s32 $0x2C0000, s0;
	[dreg:$0xd] =	wrdreg s9  }
0x16: {  	s17 =	simm.s32 $0x1C00;
	s11 =	sadd.s32 $0x2D0000, s0;
	[dreg:$0xe] =	wrdreg s10  }
0x17: {  	s24 =	simm.s32 $0x11C00;
	s13 =	sadd.s32 $0x2E0000, s0;
	[dreg:$0xf] =	wrdreg s11  }
0x18: {  	s19 =	simm.s32 $0x5;
	s23 =	sadd.s32 $0x2F0000, s0;
	[dreg:$0x10] =	wrdreg s13  }
0x19: {  	s21 =	simm.s32 $0x6;
	s25 =	sadd.s32 $0x300000, s0;
	[dreg:$0x11] =	wrdreg s23  }
0x1a: {  	s5 =	simm.s32 $0xA;
	s0 =	sadd.s32 $0x310000, s0;
	[dreg:$0x12] =	wrdreg s25  }
0x1b: {  	s6 =	simm.s32 $0xB;
	s26 =	simm.s32 $0x15C00;
	[dreg:$0x13] =	wrdreg s0  }
0x1c: {  	s0 =	simm.s32 $0x4;
	s23 =	simm.s32 $0x7;
	s25 =	simm.s32 $0x8  }
0x1d: {  	s8 =	simm.s32 $0xD;
	s9 =	simm.s32 $0xE;
	s10 =	simm.s32 $0x0  }
.LBB2_1:
0x1e: {  	s11 =	rddreg [dreg:$0xb]  }
0x1f: {  	[tilespmem:s4], [sflag:$0xF] =	stream.linear.gather [hbm4b:s11+s4], $0x1900, $0x38;
	[tilespmem:$0x1DC00] =	vst v63  }
0x20: {  	_ =	swait.ge [sflag:s15], $0x1900  }
0x21: {  	[sflag:s15] =	ssyncset.done $0x0  }
0x22: {  	[sflag:s15] =	ssyncadd.s32 $0xFFFFE700  }
0x23: {  	[tilespmem:s17], [sflag:$0x1] =	stream.indirect.gather [hbm4b:s2+s16], $0x80, s4, s16, $0xb8;
	[tilespmem:$0x1DC00] =	vst v63  }
0x24: {  	_ = 	snop  }
0x25: {  	[tilespmem:s18], [sflag:$0x2] =	stream.indirect.gather [hbm4b:s2+s16], $0x80, s16, s16, $0xb8;
	[tilespmem:$0x1DC00] =	vst v63  }
0x26: {  	s12 =	simm.s32 $0x100  }
0x27: {  	[tilespmem:s20], [sflag:$0x3] =	stream.indirect.gather [hbm4b:s2+s16], $0x80, s12, s16, $0xb8;
	[tilespmem:$0x1DC00] =	vst v63  }
0x28: {  	s13 =	simm.s32 $0x180  }
0x29: {  	[tilespmem:s22], [sflag:$0x4] =	stream.indirect.gather [hbm4b:s2+s16], $0x80, s13, s16, $0xb8;
	[tilespmem:$0x1DC00] =	vst v63  }
0x2a: {  	s14 =	simm.s32 $0x200  }
0x2b: {  	[tilespmem:s24], [sflag:$0x5] =	stream.indirect.gather [hbm4b:s2+s16], $0x80, s14, s16, $0xb8;
	[tilespmem:$0x1DC00] =	vst v63  }
0x2c: {  	s12 =	simm.s32 $0x280  }
0x2d: {  	[tilespmem:s26], [sflag:$0x6] =	stream.indirect.gather [hbm4b:s2+s16], $0x80, s12, s16, $0xb8;
	[tilespmem:$0x1DC00] =	vst v63  }
0x2e: {  	s13 =	simm.s32 $0x300  }
0x2f: {  	[tilespmem:s29], [sflag:$0x7] =	stream.indirect.gather [hbm4b:s2+s16], $0x80, s13, s16, $0xb8;
	[tilespmem:$0x1DC00] =	vst v63  }
0x30: {  	_ =	swait.ge [sflag:s30], $0x4000  }
0x31: {  	s14 =	rddreg [dreg:$0xa];
	[sflag:s30] =	ssyncset.done $0x0  }
0x32: {  	[sflag:s30] =	ssyncadd.s32 $0xFFFFC000;
	s11 =	sadd.s32 s3, s14  }
0x33: {  	[hbm4b:s11+s4] =	stream.linear.scatter [tilespmem:s17], [sflag:$0x8], $0x4000, $0x38;
	[tilespmem:$0x1DC00] =	vst v63  }
0x34: {  	_ =	swait.ge [sflag:s31], $0x4000  }
0x35: {  	s12 =	rddreg [dreg:$0x9];
	[sflag:s31] =	ssyncset.done $0x0  }
0x36: {  	[sflag:s31] =	ssyncadd.s32 $0xFFFFC000;
	s11 =	sadd.s32 s3, s12  }
0x37: {  	[hbm4b:s11+s4] =	stream.linear.scatter [tilespmem:s18], [sflag:$0x9], $0x4000, $0x38;
	[tilespmem:$0x1DC00] =	vst v63  }
0x38: {  	_ =	swait.ge [sflag:s1], $0x4000  }
0x39: {  	s13 =	rddreg [dreg:$0x8];
	[sflag:s1] =	ssyncset.done $0x0  }
0x3a: {  	[sflag:s1] =	ssyncadd.s32 $0xFFFFC000;
	s11 =	sadd.s32 s3, s13  }
0x3b: {  	[hbm4b:s11+s4] =	stream.linear.scatter [tilespmem:s20], [sflag:$0xA], $0x4000, $0x38;
	[tilespmem:$0x1DC00] =	vst v63  }
0x3c: {  	_ =	swait.ge [sflag:s0], $0x4000  }
0x3d: {  	s14 =	rddreg [dreg:$0x7];
	[sflag:s0] =	ssyncset.done $0x0  }
0x3e: {  	[sflag:s0] =	ssyncadd.s32 $0xFFFFC000;
	s11 =	sadd.s32 s3, s14  }
0x3f: {  	[hbm4b:s11+s4] =	stream.linear.scatter [tilespmem:s22], [sflag:$0xB], $0x4000, $0x38;
	[tilespmem:$0x1DC00] =	vst v63  }
0x40: {  	_ =	swait.ge [sflag:s19], $0x4000  }
0x41: {  	s12 =	rddreg [dreg:$0x6];
	[sflag:s19] =	ssyncset.done $0x0  }
0x42: {  	[sflag:s19] =	ssyncadd.s32 $0xFFFFC000;
	s11 =	sadd.s32 s3, s12  }
0x43: {  	[hbm4b:s11+s4] =	stream.linear.scatter [tilespmem:s24], [sflag:$0xC], $0x4000, $0x38;
	[tilespmem:$0x1DC00] =	vst v63  }
0x44: {  	_ =	swait.ge [sflag:s21], $0x4000  }
0x45: {  	s13 =	rddreg [dreg:$0x5];
	[sflag:s21] =	ssyncset.done $0x0  }
0x46: {  	[sflag:s21] =	ssyncadd.s32 $0xFFFFC000;
	s11 =	sadd.s32 s3, s13  }
0x47: {  	[hbm4b:s11+s4] =	stream.linear.scatter [tilespmem:s26], [sflag:$0xD], $0x4000, $0x38;
	[tilespmem:$0x1DC00] =	vst v63  }
0x48: {  	_ =	swait.ge [sflag:s23], $0x4000  }
0x49: {  	s14 =	rddreg [dreg:$0x4];
	[sflag:s23] =	ssyncset.done $0x0  }
0x4a: {  	[sflag:s23] =	ssyncadd.s32 $0xFFFFC000;
	s11 =	sadd.s32 s3, s14  }
0x4b: {  	[hbm4b:s11+s4] =	stream.linear.scatter [tilespmem:s29], [sflag:$0xE], $0x4000, $0x38;
	[tilespmem:$0x1DC00] =	vst v63  }
0x4c: {  	_ =	swait.ge [sflag:s25], $0x4000  }
0x4d: {  	[sflag:s25] =	ssyncset.done $0x0  }
0x4e: {  	s12 =	simm.s32 $0x380;
	[sflag:s25] =	ssyncadd.s32 $0xFFFFC000  }
0x4f: {  	[tilespmem:s17], [sflag:$0x1] =	stream.indirect.gather [hbm4b:s2+s16], $0x80, s12, s16, $0xb8;
	[tilespmem:$0x1DC00] =	vst v63  }
0x50: {  	_ =	swait.ge [sflag:s28], $0x4000  }
0x51: {  	[sflag:s28] =	ssyncset.done $0x0  }
0x52: {  	s13 =	simm.s32 $0x400;
	[sflag:s28] =	ssyncadd.s32 $0xFFFFC000  }
0x53: {  	[tilespmem:s18], [sflag:$0x2] =	stream.indirect.gather [hbm4b:s2+s16], $0x80, s13, s16, $0xb8;
	[tilespmem:$0x1DC00] =	vst v63  }
0x54: {  	_ =	swait.ge [sflag:s5], $0x4000  }
0x55: {  	[sflag:s5] =	ssyncset.done $0x0  }
0x56: {  	s14 =	simm.s32 $0x480;
	[sflag:s5] =	ssyncadd.s32 $0xFFFFC000  }
0x57: {  	[tilespmem:s20], [sflag:$0x3] =	stream.indirect.gather [hbm4b:s2+s16], $0x80, s14, s16, $0xb8;
	[tilespmem:$0x1DC00] =	vst v63  }
0x58: {  	_ =	swait.ge [sflag:s6], $0x4000  }
0x59: {  	[sflag:s6] =	ssyncset.done $0x0  }
0x5a: {  	s12 =	simm.s32 $0x500;
	[sflag:s6] =	ssyncadd.s32 $0xFFFFC000  }
0x5b: {  	[tilespmem:s22], [sflag:$0x4] =	stream.indirect.gather [hbm4b:s2+s16], $0x80, s12, s16, $0xb8;
	[tilespmem:$0x1DC00] =	vst v63  }
0x5c: {  	_ =	swait.ge [sflag:s7], $0x4000  }
0x5d: {  	[sflag:s7] =	ssyncset.done $0x0  }
0x5e: {  	s13 =	simm.s32 $0x580;
	[sflag:s7] =	ssyncadd.s32 $0xFFFFC000  }
0x5f: {  	[tilespmem:s24], [sflag:$0x5] =	stream.indirect.gather [hbm4b:s2+s16], $0x80, s13, s16, $0xb8;
	[tilespmem:$0x1DC00] =	vst v63  }
0x60: {  	_ =	swait.ge [sflag:s8], $0x4000  }
0x61: {  	[sflag:s8] =	ssyncset.done $0x0  }
0x62: {  	s14 =	simm.s32 $0x600;
	[sflag:s8] =	ssyncadd.s32 $0xFFFFC000  }
0x63: {  	[tilespmem:s26], [sflag:$0x6] =	stream.indirect.gather [hbm4b:s2+s16], $0x80, s14, s16, $0xb8;
	[tilespmem:$0x1DC00] =	vst v63  }
0x64: {  	_ =	swait.ge [sflag:s9], $0x4000  }
0x65: {  	s11 =	simm.s32 $0xE00;
	[sflag:s9] =	ssyncset.done $0x0  }
0x66: {  	s12 =	sadd.s32 $0x70000, s3;
	s13 =	simm.s32 $0x680;
	[sflag:s9] =	ssyncadd.s32 $0xFFFFC000  }
.LBB2_2:
0x67: {  	[tilespmem:s29], [sflag:$0x7] =	stream.indirect.gather [hbm4b:s2+s16], $0x80, s13, s16, $0xb8;
	[tilespmem:$0x1DC00] =	vst v63  }
0x68: {  	_ =	swait.ge [sflag:s30], $0x4000  }
0x69: {  	s14 =	rddreg [dreg:$0xa];
	[sflag:s30] =	ssyncset.done $0x0  }
0x6a: {  	[sflag:s30] =	ssyncadd.s32 $0xFFFFC000;
	s14 =	sadd.s32 s12, s14  }
0x6b: {  	[hbm4b:s14+s4] =	stream.linear.scatter [tilespmem:s17], [sflag:$0x8], $0x4000, $0x38;
	[tilespmem:$0x1DC00] =	vst v63  }
0x6c: {  	_ =	swait.ge [sflag:s31], $0x4000  }
0x6d: {  	s14 =	rddreg [dreg:$0x9];
	[sflag:s31] =	ssyncset.done $0x0  }
0x6e: {  	[sflag:s31] =	ssyncadd.s32 $0xFFFFC000;
	s14 =	sadd.s32 s12, s14  }
0x6f: {  	[hbm4b:s14+s4] =	stream.linear.scatter [tilespmem:s18], [sflag:$0x9], $0x4000, $0x38;
	[tilespmem:$0x1DC00] =	vst v63  }
0x70: {  	_ =	swait.ge [sflag:s1], $0x4000  }
0x71: {  	s14 =	rddreg [dreg:$0x8];
	[sflag:s1] =	ssyncset.done $0x0  }
0x72: {  	[sflag:s1] =	ssyncadd.s32 $0xFFFFC000;
	s14 =	sadd.s32 s12, s14  }
0x73: {  	[hbm4b:s14+s4] =	stream.linear.scatter [tilespmem:s20], [sflag:$0xA], $0x4000, $0x38;
	[tilespmem:$0x1DC00] =	vst v63  }
0x74: {  	_ =	swait.ge [sflag:s0], $0x4000  }
0x75: {  	s14 =	rddreg [dreg:$0x7];
	[sflag:s0] =	ssyncset.done $0x0  }
0x76: {  	[sflag:s0] =	ssyncadd.s32 $0xFFFFC000;
	s14 =	sadd.s32 s12, s14  }
0x77: {  	[hbm4b:s14+s4] =	stream.linear.scatter [tilespmem:s22], [sflag:$0xB], $0x4000, $0x38;
	[tilespmem:$0x1DC00] =	vst v63  }
0x78: {  	_ =	swait.ge [sflag:s19], $0x4000  }
0x79: {  	s14 =	rddreg [dreg:$0x6];
	[sflag:s19] =	ssyncset.done $0x0  }
0x7a: {  	[sflag:s19] =	ssyncadd.s32 $0xFFFFC000;
	s14 =	sadd.s32 s12, s14  }
0x7b: {  	[hbm4b:s14+s4] =	stream.linear.scatter [tilespmem:s24], [sflag:$0xC], $0x4000, $0x38;
	[tilespmem:$0x1DC00] =	vst v63  }
0x7c: {  	_ =	swait.ge [sflag:s21], $0x4000  }
0x7d: {  	s14 =	rddreg [dreg:$0x5];
	[sflag:s21] =	ssyncset.done $0x0  }
0x7e: {  	[sflag:s21] =	ssyncadd.s32 $0xFFFFC000;
	s14 =	sadd.s32 s12, s14  }
0x7f: {  	[hbm4b:s14+s4] =	stream.linear.scatter [tilespmem:s26], [sflag:$0xD], $0x4000, $0x38;
	[tilespmem:$0x1DC00] =	vst v63  }
0x80: {  	_ =	swait.ge [sflag:s23], $0x4000  }
0x81: {  	s14 =	rddreg [dreg:$0x4];
	[sflag:s23] =	ssyncset.done $0x0  }
0x82: {  	[sflag:s23] =	ssyncadd.s32 $0xFFFFC000;
	s14 =	sadd.s32 s12, s14  }
0x83: {  	[hbm4b:s14+s4] =	stream.linear.scatter [tilespmem:s29], [sflag:$0xE], $0x4000, $0x38;
	[tilespmem:$0x1DC00] =	vst v63  }
0x84: {  	s13 =	smov.u32 s11;
	_ =	swait.ge [sflag:s25], $0x4000  }
0x85: {  	s13 =	sshra.s32 s13, $0x2;
	[sflag:s25] =	ssyncset.done $0x0  }
0x86: {  	s14 =	sadd.s32 $0x380, s13;
	[sflag:s25] =	ssyncadd.s32 $0xFFFFC000  }
0x87: {  	[tilespmem:s17], [sflag:$0x1] =	stream.indirect.gather [hbm4b:s2+s16], $0x80, s14, s16, $0xb8;
	[tilespmem:$0x1DC00] =	vst v63  }
0x88: {  	_ =	swait.ge [sflag:s28], $0x4000  }
0x89: {  	[sflag:s28] =	ssyncset.done $0x0  }
0x8a: {  	s14 =	sadd.s32 $0x400, s13;
	[sflag:s28] =	ssyncadd.s32 $0xFFFFC000  }
0x8b: {  	[tilespmem:s18], [sflag:$0x2] =	stream.indirect.gather [hbm4b:s2+s16], $0x80, s14, s16, $0xb8;
	[tilespmem:$0x1DC00] =	vst v63  }
0x8c: {  	_ =	swait.ge [sflag:s5], $0x4000  }
0x8d: {  	[sflag:s5] =	ssyncset.done $0x0  }
0x8e: {  	s14 =	sadd.s32 $0x480, s13;
	[sflag:s5] =	ssyncadd.s32 $0xFFFFC000  }
0x8f: {  	[tilespmem:s20], [sflag:$0x3] =	stream.indirect.gather [hbm4b:s2+s16], $0x80, s14, s16, $0xb8;
	[tilespmem:$0x1DC00] =	vst v63  }
0x90: {  	_ =	swait.ge [sflag:s6], $0x4000  }
0x91: {  	[sflag:s6] =	ssyncset.done $0x0  }
0x92: {  	s14 =	sadd.s32 $0x500, s13;
	[sflag:s6] =	ssyncadd.s32 $0xFFFFC000  }
0x93: {  	[tilespmem:s22], [sflag:$0x4] =	stream.indirect.gather [hbm4b:s2+s16], $0x80, s14, s16, $0xb8;
	[tilespmem:$0x1DC00] =	vst v63  }
0x94: {  	_ =	swait.ge [sflag:s7], $0x4000  }
0x95: {  	[sflag:s7] =	ssyncset.done $0x0  }
0x96: {  	s14 =	sadd.s32 $0x580, s13;
	[sflag:s7] =	ssyncadd.s32 $0xFFFFC000  }
0x97: {  	[tilespmem:s24], [sflag:$0x5] =	stream.indirect.gather [hbm4b:s2+s16], $0x80, s14, s16, $0xb8;
	[tilespmem:$0x1DC00] =	vst v63  }
0x98: {  	_ =	swait.ge [sflag:s8], $0x4000  }
0x99: {  	p0 =	sne.s32 s11, $0x4600;
	[sflag:s8] =	ssyncset.done $0x0  }
.Ltmp0:
0x9a: {  	s14 =	sadd.s32 $0x600, s13;
	[sflag:s8] =	ssyncadd.s32 $0xFFFFC000;
	(pc) =	sbr.rel @p0 .LBB2_2-.Ltmp0, $4  }
0x9b: {  	[tilespmem:s26], [sflag:$0x6] =	stream.indirect.gather [hbm4b:s2+s16], $0x80, s14, s16, $0xb8;
	[tilespmem:$0x1DC00] =	vst v63  }
0x9c: {  	_ =	swait.ge [sflag:s9], $0x4000  }
0x9d: {  	s11 =	sadd.s32 $0xE00, s11;
	[sflag:s9] =	ssyncset.done $0x0  }
0x9e: {  	s12 =	sadd.s32 $0x70000, s12;
	s13 =	sadd.s32 $0x680, s13;
	[sflag:s9] =	ssyncadd.s32 $0xFFFFC000  }
0x9f: {  	[tilespmem:s29], [sflag:$0x7] =	stream.indirect.gather [hbm4b:s2+s16], $0x80, s13, s16, $0xb8;
	[tilespmem:$0x1DC00] =	vst v63  }
0xa0: {  	_ =	swait.ge [sflag:s30], $0x4000  }
0xa1: {  	[sflag:s30] =	ssyncset.done $0x0  }
0xa2: {  	s11 =	rddreg [dreg:$0xc];
	[sflag:s30] =	ssyncadd.s32 $0xFFFFC000  }
0xa3: {  	[hbm4b:s11+s4] =	stream.linear.scatter [tilespmem:s17], [sflag:$0x8], $0x4000, $0x38;
	[tilespmem:$0x1DC00] =	vst v63  }
0xa4: {  	_ =	swait.ge [sflag:s31], $0x4000  }
0xa5: {  	[sflag:s31] =	ssyncset.done $0x0  }
0xa6: {  	s12 =	rddreg [dreg:$0xd];
	[sflag:s31] =	ssyncadd.s32 $0xFFFFC000  }
0xa7: {  	[hbm4b:s12+s4] =	stream.linear.scatter [tilespmem:s18], [sflag:$0x9], $0x4000, $0x38;
	[tilespmem:$0x1DC00] =	vst v63  }
0xa8: {  	_ =	swait.ge [sflag:s1], $0x4000  }
0xa9: {  	[sflag:s1] =	ssyncset.done $0x0  }
0xaa: {  	s13 =	rddreg [dreg:$0xe];
	[sflag:s1] =	ssyncadd.s32 $0xFFFFC000  }
0xab: {  	[hbm4b:s13+s4] =	stream.linear.scatter [tilespmem:s20], [sflag:$0xA], $0x4000, $0x38;
	[tilespmem:$0x1DC00] =	vst v63  }
0xac: {  	_ =	swait.ge [sflag:s0], $0x4000  }
0xad: {  	[sflag:s0] =	ssyncset.done $0x0  }
0xae: {  	s14 =	rddreg [dreg:$0xf];
	[sflag:s0] =	ssyncadd.s32 $0xFFFFC000  }
0xaf: {  	[hbm4b:s14+s4] =	stream.linear.scatter [tilespmem:s22], [sflag:$0xB], $0x4000, $0x38;
	[tilespmem:$0x1DC00] =	vst v63  }
0xb0: {  	_ =	swait.ge [sflag:s19], $0x4000  }
0xb1: {  	[sflag:s19] =	ssyncset.done $0x0  }
0xb2: {  	s12 =	rddreg [dreg:$0x10];
	[sflag:s19] =	ssyncadd.s32 $0xFFFFC000  }
0xb3: {  	[hbm4b:s12+s4] =	stream.linear.scatter [tilespmem:s24], [sflag:$0xC], $0x4000, $0x38;
	[tilespmem:$0x1DC00] =	vst v63  }
0xb4: {  	_ =	swait.ge [sflag:s21], $0x4000  }
0xb5: {  	[sflag:s21] =	ssyncset.done $0x0  }
0xb6: {  	s13 =	rddreg [dreg:$0x11];
	[sflag:s21] =	ssyncadd.s32 $0xFFFFC000  }
0xb7: {  	[hbm4b:s13+s4] =	stream.linear.scatter [tilespmem:s26], [sflag:$0xD], $0x4000, $0x38;
	[tilespmem:$0x1DC00] =	vst v63  }
0xb8: {  	_ =	swait.ge [sflag:s23], $0x4000  }
0xb9: {  	[sflag:s23] =	ssyncset.done $0x0  }
0xba: {  	s14 =	rddreg [dreg:$0x12];
	[sflag:s23] =	ssyncadd.s32 $0xFFFFC000  }
0xbb: {  	[hbm4b:s14+s4] =	stream.linear.scatter [tilespmem:s29], [sflag:$0xE], $0x4000, $0x38;
	[tilespmem:$0x1DC00] =	vst v63  }
0xbc: {  	_ =	swait.ge [sflag:s25], $0x4000  }
0xbd: {  	[sflag:s25] =	ssyncset.done $0x0  }
0xbe: {  	s12 =	simm.s32 $0x1880;
	[sflag:s25] =	ssyncadd.s32 $0xFFFFC000  }
0xbf: {  	[tilespmem:s17], [sflag:$0x1] =	stream.indirect.gather [hbm4b:s2+s16], $0x80, s12, s16, $0xb8;
	[tilespmem:$0x1DC00] =	vst v63  }
0xc0: {  	_ =	swait.ge [sflag:s30], $0x4000  }
0xc1: {  	[sflag:s30] =	ssyncset.done $0x0  }
0xc2: {  	s13 =	rddreg [dreg:$0x13];
	[sflag:s30] =	ssyncadd.s32 $0xFFFFC000  }
0xc3: {  	[hbm4b:s13+s4] =	stream.linear.scatter [tilespmem:s17], [sflag:$0x8], $0x4000, $0x38;
	[tilespmem:$0x1DC00] =	vst v63  }
0xc4: {  	_ =	swait.ge [sflag:s25], $0x4000  }
0xc5: {  	[sflag:s25] =	ssyncset.done $0x0  }
0xc6: {  	[sflag:s25] =	ssyncadd.s32 $0xFFFFC000  }
0xc7: {  	_ =	swait.ge [sflag:s28], $0x4000  }
0xc8: {  	[sflag:s28] =	ssyncset.done $0x0  }
0xc9: {  	[sflag:s28] =	ssyncadd.s32 $0xFFFFC000  }
0xca: {  	_ =	swait.ge [sflag:s5], $0x4000  }
0xcb: {  	[sflag:s5] =	ssyncset.done $0x0  }
0xcc: {  	[sflag:s5] =	ssyncadd.s32 $0xFFFFC000  }
0xcd: {  	_ =	swait.ge [sflag:s6], $0x4000  }
0xce: {  	[sflag:s6] =	ssyncset.done $0x0  }
0xcf: {  	[sflag:s6] =	ssyncadd.s32 $0xFFFFC000  }
0xd0: {  	_ =	swait.ge [sflag:s7], $0x4000  }
0xd1: {  	[sflag:s7] =	ssyncset.done $0x0  }
0xd2: {  	[sflag:s7] =	ssyncadd.s32 $0xFFFFC000  }
0xd3: {  	_ =	swait.ge [sflag:s8], $0x4000  }
0xd4: {  	[sflag:s8] =	ssyncset.done $0x0  }
0xd5: {  	[sflag:s8] =	ssyncadd.s32 $0xFFFFC000  }
0xd6: {  	_ =	swait.ge [sflag:s9], $0x4000  }
0xd7: {  	s10 =	sadd.s32 $0x1, s10;
	s14 =	rddreg [dreg:$0x14]  }
0xd8: {  	p0 =	sne.s32 s10, s14  }
.Ltmp1:
0xd9: {  	_ = 	snop;
	(pc) =	sbr.rel @p0 .LBB2_1-.Ltmp1, $3  }
0xda: {  	_ =	sdelay $0x1  }
0xdb: {  	[sflag:s9] =	ssyncset.done $0x0  }
0xdc: {  	[sflag:s9] =	ssyncadd.s32 $0xFFFFC000  }
0xdd: {  	_ =	sfence.sel $0x180000  }
0xde: {  	[bflag:$0x0] =	sbarrier.arrive $0xFFFF  }
0xdf: {  	_ =	strace $0x90000047  }
0xe0: {  	s0 =	stileid.u32;
	[bflag:$0x2] =	sbarrier.arrive $0xFFFF  }
0xe1: {  	p0 =	sne.s32 s0, $0x0;
	s0 =	rddreg [dreg:$0x3]  }
0xe2: {  	s0 =	sadd.s32 @!p0 $0x100000, s0  }
0xe3: {  	[sflag:s0] =	ssyncadd.tile.s32 @!p0 $0x1;
	_ =	shalt  }
.Lfunc_end2:
_tile_overlayer_lowered:
.L_overlay_start_2:
0xe4: {  	(tag) =	ssettag $0x2  }
0xe5: {  	s0 =	rddreg [dreg:$0x0];
	s2 =	stileid.u32  }
0xe6: {  	s1 =	rddreg [dreg:$0x1];
	p0 =	sne.s32 s2, $0x0  }
0xe7: {  	s3 =	rddreg [dreg:$0x2];
	[bflag:$0x3] =	sbarrier.arrive $0xFFFF;
	s2 =	simm.s32 @!p0 $0x1C0F  }
0xe8: {  	[timem:s3], [sflag:s2] =	dma.local @!p0 [hbm:s0], s1  }
0xe9: {  	s0 =	simm.s32 @!p0 $0xF  }
0xea: {  	_ =	swait.ge @!p0 [sflag:s0], s1  }
0xeb: {  	s1 =	ssub.s32 @!p0 $0x0, s1;
	[sflag:s0] =	ssyncset.done @!p0 $0x0  }
0xec: {  	[sflag:s0] =	ssyncadd.s32 @!p0 s1  }
0xed: {  	[bflag:$0x3] =	sbarrier.arrive $0xFFFF  }
0xee: {  	_ =	shalt  }

</sc_bundles>
